<compile_context>
chip_gen: v7x
topology: tpu7x:2x2x1
jax: 0.10.2.dev20260603
libtpu: 0.0.44.dev20260713+nightly
codegen_flags: <defaults>
</compile_context>

<pallas_src>
import math

import jax
import jax.numpy as jnp
import numpy as np
from jax import lax
from jax.experimental import pallas as pl
from jax.experimental.pallas import tpu as pltpu
from jax.experimental.pallas import tpu_sc as plsc

BS, M, P = 32, 256, 20
PP = 24
N = BS * M
NB = 256
NBP = NB * PP

_SC_NC, _SC_NS = 2, 16
_SC_NW = _SC_NC * _SC_NS
_GB = N // _SC_NW
_GCH = 128

_TY_C = np.arange(24) // 8
_RT_C = (np.arange(24) // 4) % 2
_TL_C = np.arange(24) % 4
_TLI_C = np.where(_TY_C == 1, np.array([2, 0, 0, 3])[_TL_C], _TL_C)


def _embed_gather_kernel(table_hbm, gidx_hbm, out_hbm, idx_v, rows_v, sem):
    wid = lax.axis_index("s") * _SC_NC + lax.axis_index("c")
    base = wid * _GB
    for c in range(_GB // _GCH):
        off = base + c * _GCH
        pltpu.sync_copy(gidx_hbm.at[pl.ds(off, _GCH)], idx_v)
        pltpu.async_copy(table_hbm.at[idx_v], rows_v, sem).wait()
        pltpu.sync_copy(rows_v, out_hbm.at[pl.ds(off, _GCH)])


def _encoder_kernel(pv_ref, vm_ref, sl_ref, hasl_ref, e12_ref,
                    w1a_ref, w2_ref, b2_ref,
                    w3a_ref, w3b_ref, b3_ref, w4_ref, b4_ref,
                    ffc_ref, ffs_ref, wf1c_ref, wf1s_ref, wf1l_ref, bf1_ref,
                    lng_ref, lnb_ref, wf2_ref, bf2_ref,
                    out1_ref, out2_ref):
    f32 = jnp.float32
    bf16 = jnp.bfloat16

    h1 = jnp.dot(pv_ref[...], w1a_ref[...], preferred_element_type=f32)
    h1 = jax.nn.relu(h1)

    h = jnp.dot(h1.astype(bf16), w2_ref[...], preferred_element_type=f32)
    h = h + b2_ref[...]
    vm = vm_ref[...]
    hm = h * vm

    io8 = jax.lax.broadcasted_iota(jnp.int32, (NB, 8, 1), 1)
    pbs = jnp.where(io8 >= P - 16, f32(-1e30), f32(0.0))

    hm3 = hm.reshape(NB, PP, 256)
    m8 = jnp.maximum(jnp.maximum(hm3[:, 0:8], hm3[:, 8:16]),
                     hm3[:, 16:24] + pbs)
    pooled = jnp.max(m8, axis=1)

    q = jnp.dot(pooled.astype(bf16), w3b_ref[...], preferred_element_type=f32)
    q = q + b3_ref[...]
    qb = jnp.broadcast_to(q.reshape(NB, 1, 256), (NB, PP, 256)).reshape(NBP, 256)
    t = jnp.dot(hm.astype(bf16), w3a_ref[...], preferred_element_type=f32) + qb
    t = jax.nn.relu(t)

    z = jnp.dot(t.astype(bf16), w4_ref[...], preferred_element_type=f32)
    z = (z + b4_ref[...]) * vm
    z3 = z.reshape(NB, PP, 128)
    z8 = jnp.maximum(jnp.maximum(z3[:, 0:8], z3[:, 8:16]),
                     z3[:, 16:24] + pbs)
    x_poly = jnp.max(z8, axis=1)

    sl = sl_ref[...]
    fh = (jnp.dot(ffc_ref[...], wf1c_ref[...], preferred_element_type=f32)
          + jnp.dot(ffs_ref[...], wf1s_ref[...], preferred_element_type=f32)
          + sl * wf1l_ref[...] + bf1_ref[...])
    mu = jnp.mean(fh, axis=-1, keepdims=True)
    var = jnp.mean((fh - mu) ** 2, axis=-1, keepdims=True)
    fh = (fh - mu) / jnp.sqrt(var + 1e-5) * lng_ref[...] + lnb_ref[...]
    fh = jax.nn.relu(fh)
    fh = jnp.dot(fh, wf2_ref[...], preferred_element_type=f32) + bf2_ref[...]
    xs = fh * hasl_ref[...]

    base = x_poly + xs
    e12 = e12_ref[...]
    out1_ref[...] = base + e12[:, 0:128]
    out2_ref[...] = base + e12[:, 128:256]


def kernel(polygon_center, polygon_speed_limit, point_position, point_vector,
           point_orientation, polygon_type, polygon_on_route, polygon_tl_status,
           polygon_has_speed_limit, valid_mask, W1, b1, g1, be1, m1, v1, W2, b2,
           W3, b3, g3, be3, m3, v3, W4, b4, freqs, Wf1, bf1, lng, lnb, Wf2, bf2,
           type_table, route_table, tl_table):
    f32 = jnp.float32
    bf16 = jnp.bfloat16

    o = point_orientation[:, :, 0]
    ones = jnp.ones(o.shape + (1,), f32)
    pv = jnp.concatenate(
        [point_position[:, :, 0] - polygon_center[:, :, None, :2],
         point_vector[:, :, 0],
         jnp.cos(o)[..., None], jnp.sin(o)[..., None], ones],
        axis=-1).reshape(N, P, 7)
    pv = jnp.pad(pv, ((0, 0), (0, PP - P), (0, 1))).reshape(N * PP, 8)
    pv = pv.astype(bf16)
    vm = jnp.pad(valid_mask.astype(f32).reshape(N, P),
                 ((0, 0), (0, PP - P))).reshape(N * PP, 1)
    sl = polygon_speed_limit.reshape(N, 1)
    xf = sl * (freqs * (2.0 * math.pi))[None, :]
    ffc = jnp.cos(xf).astype(bf16)
    ffs = jnp.sin(xf).astype(bf16)
    hasl = polygon_has_speed_limit.reshape(N, 1).astype(f32)

    ty = polygon_type.reshape(N).astype(jnp.int32)
    rt = polygon_on_route.reshape(N).astype(jnp.int32)
    tl = polygon_tl_status.reshape(N).astype(jnp.int32)
    gidx = ty * 8 + rt * 4 + tl
    etab = jnp.concatenate([
        type_table[_TY_C] + route_table[_RT_C] + tl_table[_TL_C],
        type_table[_TY_C] + route_table[_RT_C] + tl_table[_TLI_C],
    ], axis=1)
    e12 = pl.kernel(
        _embed_gather_kernel,
        out_type=jax.ShapeDtypeStruct((N, 256), f32),
        mesh=plsc.VectorSubcoreMesh(core_axis_name="c", subcore_axis_name="s"),
        scratch_types=[
            pltpu.VMEM((_GCH,), jnp.int32),
            pltpu.VMEM((_GCH, 256), f32),
            pltpu.SemaphoreType.DMA,
        ],
    )(etab, gidx)

    s1 = g1 / jnp.sqrt(v1 + 1e-5)
    W1f = W1 * s1
    b1f = b1 * s1 + (be1 - m1 * s1)
    s3 = g3 / jnp.sqrt(v3 + 1e-5)
    W3f = W3 * s3
    b3f = b3 * s3 + (be3 - m3 * s3)

    w1a = jnp.concatenate([W1f, b1f[None, :],
                           jnp.zeros((1, 128), f32)], axis=0).astype(bf16)
    W2c = W2.astype(bf16)
    w3a = W3f[0:256].astype(bf16)
    w3b = W3f[256:512].astype(bf16)
    W4c = W4.astype(bf16)
    wf1c = Wf1[0:64].astype(bf16)
    wf1s = Wf1[64:128].astype(bf16)
    wf1l = Wf1[128:129]

    row2 = lambda a: a.reshape(1, -1)

    grid = N // NB
    full = lambda shape: pl.BlockSpec(shape, lambda i: (0, 0))
    out1, out2 = pl.pallas_call(
        _encoder_kernel,
        grid=(grid,),
        compiler_params=pltpu.CompilerParams(
            dimension_semantics=("parallel",)),
        in_specs=[
            pl.BlockSpec((NBP, 8), lambda i: (i, 0)),
            pl.BlockSpec((NBP, 1), lambda i: (i, 0)),
            pl.BlockSpec((NB, 1), lambda i: (i, 0)),
            pl.BlockSpec((NB, 1), lambda i: (i, 0)),
            pl.BlockSpec((NB, 256), lambda i: (i, 0)),
            full((8, 128)),
            full((128, 256)), full((1, 256)),
            full((256, 256)), full((256, 256)), full((1, 256)),
            full((256, 128)), full((1, 128)),
            pl.BlockSpec((NB, 64), lambda i: (i, 0)),
            pl.BlockSpec((NB, 64), lambda i: (i, 0)),
            full((64, 128)), full((64, 128)),
            full((1, 128)), full((1, 128)),
            full((1, 128)), full((1, 128)),
            full((128, 128)), full((1, 128)),
        ],
        out_specs=[
            pl.BlockSpec((NB, 128), lambda i: (i, 0)),
            pl.BlockSpec((NB, 128), lambda i: (i, 0)),
        ],
        out_shape=[
            jax.ShapeDtypeStruct((N, 128), f32),
            jax.ShapeDtypeStruct((N, 128), f32),
        ],
    )(pv, vm, sl, hasl, e12,
      w1a, W2c, row2(b2), w3a, w3b, row2(b3f), W4c, row2(b4),
      ffc, ffs, wf1c, wf1s, wf1l, row2(bf1), row2(lng), row2(lnb), Wf2,
      row2(bf2))

    return out1.reshape(BS, M, 128), out2.reshape(BS, M, 128)

# --- scband reference (transcript-rebuilt; emitter-appended) ---
"""Pipeline reference for scband-map-encoder-w-inverse-traffic-63969242906694 (READ-ONLY COPY).

The authoritative reference and input builder live on the scoring server;
editing this copy changes nothing except your own understanding.
"""

import jax, jax.numpy as jnp
import numpy as np
import math

BS, M, P = 32, 256, 20
DIM = 128
NFREQ = 64

def _norm(k, shape, scale):
    return jax.random.normal(k, shape, dtype=jnp.float32) * scale

def setup_inputs(seed=0):
    key = jax.random.key(seed)
    ks = jax.random.split(key, 24)
    inp = {}
    inp['polygon_center'] = _norm(ks[0], (BS, M, 3), 1.0)
    inp['polygon_speed_limit'] = jax.random.uniform(ks[1], (BS, M), dtype=jnp.float32) * 30.0
    inp['point_position'] = _norm(ks[2], (BS, M, 3, P, 2), 1.0)
    inp['point_vector'] = _norm(ks[3], (BS, M, 3, P, 2), 1.0)
    inp['point_orientation'] = _norm(ks[4], (BS, M, 3, P), 1.0)
    inp['polygon_type'] = jax.random.randint(ks[5], (BS, M), 0, 3)
    inp['polygon_on_route'] = jax.random.randint(ks[6], (BS, M), 0, 2)
    inp['polygon_tl_status'] = jax.random.randint(ks[7], (BS, M), 0, 4)
    inp['polygon_has_speed_limit'] = jax.random.bernoulli(ks[8], 0.5, (BS, M))
    inp['valid_mask'] = jax.random.bernoulli(ks[9], 0.8, (BS, M, P))
    inp['W1'] = _norm(ks[10], (6, 128), 1.0 / math.sqrt(6))
    inp['b1'] = jnp.zeros((128,), jnp.float32)
    inp['g1'] = jnp.ones((128,), jnp.float32)
    inp['be1'] = jnp.zeros((128,), jnp.float32)
    inp['m1'] = jnp.zeros((128,), jnp.float32)
    inp['v1'] = jnp.ones((128,), jnp.float32)
    inp['W2'] = _norm(ks[11], (128, 256), 1.0 / math.sqrt(128))
    inp['b2'] = jnp.zeros((256,), jnp.float32)
    inp['W3'] = _norm(ks[12], (512, 256), 1.0 / math.sqrt(512))
    inp['b3'] = jnp.zeros((256,), jnp.float32)
    inp['g3'] = jnp.ones((256,), jnp.float32)
    inp['be3'] = jnp.zeros((256,), jnp.float32)
    inp['m3'] = jnp.zeros((256,), jnp.float32)
    inp['v3'] = jnp.ones((256,), jnp.float32)
    inp['W4'] = _norm(ks[13], (256, DIM), 1.0 / math.sqrt(256))
    inp['b4'] = jnp.zeros((DIM,), jnp.float32)
    inp['freqs'] = _norm(ks[14], (NFREQ,), 1.0)
    inp['Wf1'] = _norm(ks[15], (2 * NFREQ + 1, DIM), 1.0 / math.sqrt(2 * NFREQ + 1))
    inp['bf1'] = jnp.zeros((DIM,), jnp.float32)
    inp['lng'] = jnp.ones((DIM,), jnp.float32)
    inp['lnb'] = jnp.zeros((DIM,), jnp.float32)
    inp['Wf2'] = _norm(ks[16], (DIM, DIM), 1.0 / math.sqrt(DIM))
    inp['bf2'] = jnp.zeros((DIM,), jnp.float32)
    inp['type_table'] = _norm(ks[17], (3, DIM), 1.0)
    inp['route_table'] = _norm(ks[18], (2, DIM), 1.0)
    inp['tl_table'] = _norm(ks[19], (4, DIM), 1.0)
    return inp

def _bn(x, g, b, mu, var):
    return (x - mu) / jnp.sqrt(var + 1e-5) * g + b

def _ln(x, g, b):
    mu = jnp.mean(x, axis=-1, keepdims=True)
    var = jnp.mean((x - mu) ** 2, axis=-1, keepdims=True)
    return (x - mu) / jnp.sqrt(var + 1e-5) * g + b

def _forward(polygon_center, polygon_speed_limit, point_position, point_vector, point_orientation, polygon_type, polygon_on_route, polygon_tl_status, polygon_has_speed_limit, valid_mask, W1, b1, g1, be1, m1, v1, W2, b2, W3, b3, g3, be3, m3, v3, W4, b4, freqs, Wf1, bf1, lng, lnb, Wf2, bf2, type_table, route_table, tl_table):
    tl = polygon_tl_status
    t1 = polygon_type == 1
    tl_inv = jnp.where((tl == 2) & t1, 0, tl)
    tl_inv = jnp.where((tl == 1) & t1, 0, tl_inv)
    tl_inv = jnp.where((tl == 0) & t1, 2, tl_inv)
    feat = jnp.concatenate([
        point_position[:, :, 0] - polygon_center[:, :, None, :2],
        point_vector[:, :, 0],
        jnp.stack([jnp.cos(point_orientation[:, :, 0]), jnp.sin(point_orientation[:, :, 0])], axis=-1),
    ], axis=-1)
    bs, m, p, c = feat.shape
    x = feat.reshape(bs * m, p, c)
    mask = valid_mask.reshape(bs * m, p)
    h = x @ W1 + b1
    h = jax.nn.relu(_bn(h, g1, be1, m1, v1))
    h = h @ W2 + b2
    h = jnp.where(mask[:, :, None], h, 0.0)
    pooled = jnp.max(h, axis=1)
    h2 = jnp.concatenate([h, jnp.broadcast_to(pooled[:, None, :], (bs * m, p, pooled.shape[-1]))], axis=-1)
    h2 = h2 @ W3 + b3
    h2 = jax.nn.relu(_bn(h2, g3, be3, m3, v3))
    h2 = h2 @ W4 + b4
    h2 = jnp.where(mask[:, :, None], h2, 0.0)
    x_polygon = jnp.max(h2, axis=1).reshape(bs, m, -1)
    x_type = jnp.take(type_table, polygon_type, axis=0)
    x_route = jnp.take(route_table, polygon_on_route, axis=0)
    x_tl = jnp.take(tl_table, tl, axis=0)
    x_tl_inv = jax.lax.stop_gradient(jnp.take(tl_table, tl_inv, axis=0))
    sl = polygon_speed_limit[:, :, None]
    xf = sl * freqs * (2.0 * math.pi)
    ff = jnp.concatenate([jnp.cos(xf), jnp.sin(xf), sl], axis=-1)
    fh = ff @ Wf1 + bf1
    fh = jax.nn.relu(_ln(fh, lng, lnb))
    fh = fh @ Wf2 + bf2
    x_speed = jnp.where(polygon_has_speed_limit[:, :, None], fh, 0.0)
    out1 = x_polygon + x_type + x_route + x_tl + x_speed
    out2 = x_polygon + jax.lax.stop_gradient(x_type + x_route + x_tl_inv + x_speed)
    return out1, out2

def reference(polygon_center, polygon_speed_limit, point_position, point_vector, point_orientation, polygon_type, polygon_on_route, polygon_tl_status, polygon_has_speed_limit, valid_mask, W1, b1, g1, be1, m1, v1, W2, b2, W3, b3, g3, be3, m3, v3, W4, b4, freqs, Wf1, bf1, lng, lnb, Wf2, bf2, type_table, route_table, tl_table):
    return _forward(
        polygon_center, polygon_speed_limit, point_position, point_vector, point_orientation,
        polygon_type, polygon_on_route, polygon_tl_status, polygon_has_speed_limit, valid_mask,
        W1, b1, g1, be1, m1, v1, W2, b2,
        W3, b3, g3, be3, m3, v3, W4, b4,
        freqs, Wf1, bf1, lng, lnb, Wf2, bf2,
        type_table, route_table, tl_table)

if __name__ == "__main__":
    import jax
    _d = setup_inputs()
    print(jax.jit(kernel)(*tuple(_d.values())))

</pallas_src>

<mosaic_0001>
#map = affine_map<(d0, d1) -> (0, 0)>
#map1 = affine_map<(d0, d1) -> (0)>
module attributes {stable_mosaic.version = 14 : i64} {
  func.func @_embed_gather_kernel(%arg0: i32, %arg1: i32, %arg2: memref<24x256xf32, #tpu.memory_space<hbm>>, %arg3: memref<8192xi32, #tpu.memory_space<hbm>>, %arg4: memref<8192x256xf32, #tpu.memory_space<hbm>>, %arg5: memref<128xi32, #tpu.memory_space<vmem>>, %arg6: memref<128x256xf32, #tpu.memory_space<vmem>>, %arg7: memref<!tpu.dma_semaphore, #tpu.memory_space<semaphore_mem>>) attributes {dimension_semantics = [#tpu.dimension_semantics<core_parallel>, #tpu.dimension_semantics<subcore_parallel>], iteration_bounds = array<i64: 2, 16>, scalar_prefetch = 0 : i64, scratch_operands = 3 : i64, tpu.core_type = #tpu.core_type<sc_vector_subcore>, window_params = [{transform_indices = #map}, {transform_indices = #map1}, {transform_indices = #map}]} {
    %mul3A = arith.constant 2 : i32
    %mul3A_0 = arith.muli %arg1, %mul3A : i32
    %add3A = arith.addi %mul3A_0, %arg0 : i32
    %mul3A_1 = arith.constant 256 : i32
    %mul3A_2 = arith.muli %add3A, %mul3A_1 : i32
    %add3A_3 = arith.constant 0 : i32
    %add3A_4 = arith.addi %mul3A_2, %add3A_3 : i32
    "tpu.region"() ({
      %run_scoped3A = tpu.sem_alloc : memref<!tpu.dma_semaphore, #tpu.memory_space<semaphore_mem>>
      %dma_start3A_17 = tpu.memref_slice %arg3[%add3A_4] : memref<8192xi32, #tpu.memory_space<hbm>> -> memref<128xi32, #tpu.memory_space<hbm>>
      %dma_start3A_18 = tpu.memref_slice %arg3[%add3A_4] : memref<8192xi32, #tpu.memory_space<hbm>> -> memref<128xi32, #tpu.memory_space<hbm>>
      tpu.enqueue_dma source(%dma_start3A_18 : memref<128xi32, #tpu.memory_space<hbm>>) target(%arg5 : memref<128xi32, #tpu.memory_space<vmem>>) target_semaphore(%run_scoped3A : memref<!tpu.dma_semaphore, #tpu.memory_space<semaphore_mem>>)
      %dma_wait3A_19 = tpu.memref_slice %arg3[%add3A_4] : memref<8192xi32, #tpu.memory_space<hbm>> -> memref<128xi32, #tpu.memory_space<hbm>>
      %dma_wait3A_20 = tpu.memref_slice %arg3[%add3A_4] : memref<8192xi32, #tpu.memory_space<hbm>> -> memref<128xi32, #tpu.memory_space<hbm>>
      tpu.wait_dma2 semaphore(%run_scoped3A : memref<!tpu.dma_semaphore, #tpu.memory_space<semaphore_mem>>) src(%dma_wait3A_20 : memref<128xi32, #tpu.memory_space<hbm>>) dst(%arg5 : memref<128xi32, #tpu.memory_space<vmem>>)
      tpu.yield
    }) : () -> ()
    %dma_start3A = arith.constant 0 : i32
    %dma_start3A_5 = arith.constant 0 : i32
    %dma_start3A_6 = tpu.memref_slice %arg2[%dma_start3A, %dma_start3A_5] : memref<24x256xf32, #tpu.memory_space<hbm>> -> memref<24x256xf32, #tpu.memory_space<hbm>>
    tpu.enqueue_indirect_dma source(%dma_start3A_6 : memref<24x256xf32, #tpu.memory_space<hbm>>) target(%arg6 : memref<128x256xf32, #tpu.memory_space<vmem>>) offsets(%arg5 : memref<128xi32, #tpu.memory_space<vmem>>) semaphore(%arg7 : memref<!tpu.dma_semaphore, #tpu.memory_space<semaphore_mem>>)
    %dma_wait3A = arith.constant 0 : i32
    %dma_wait3A_7 = arith.constant 0 : i32
    %dma_wait3A_8 = tpu.memref_slice %arg2[%dma_wait3A, %dma_wait3A_7] : memref<24x256xf32, #tpu.memory_space<hbm>> -> memref<24x256xf32, #tpu.memory_space<hbm>>
    tpu.wait_indirect_dma semaphore(%arg7 : memref<!tpu.dma_semaphore, #tpu.memory_space<semaphore_mem>>) src(%dma_wait3A_8 : memref<24x256xf32, #tpu.memory_space<hbm>>) dst(%arg6 : memref<128x256xf32, #tpu.memory_space<vmem>>)
    "tpu.region"() ({
      %run_scoped3A = tpu.sem_alloc : memref<!tpu.dma_semaphore, #tpu.memory_space<semaphore_mem>>
      %dma_start3A_17 = arith.constant 0 : i32
      %dma_start3A_18 = tpu.memref_slice %arg4[%add3A_4, %dma_start3A_17] : memref<8192x256xf32, #tpu.memory_space<hbm>> -> memref<128x256xf32, #tpu.memory_space<hbm>>
      %dma_start3A_19 = arith.constant 0 : i32
      %dma_start3A_20 = tpu.memref_slice %arg4[%add3A_4, %dma_start3A_19] : memref<8192x256xf32, #tpu.memory_space<hbm>> -> memref<128x256xf32, #tpu.memory_space<hbm>>
      tpu.enqueue_dma source(%arg6 : memref<128x256xf32, #tpu.memory_space<vmem>>) target(%dma_start3A_20 : memref<128x256xf32, #tpu.memory_space<hbm>>) target_semaphore(%run_scoped3A : memref<!tpu.dma_semaphore, #tpu.memory_space<semaphore_mem>>)
      %dma_wait3A_21 = arith.constant 0 : i32
      %dma_wait3A_22 = tpu.memref_slice %arg4[%add3A_4, %dma_wait3A_21] : memref<8192x256xf32, #tpu.memory_space<hbm>> -> memref<128x256xf32, #tpu.memory_space<hbm>>
      %dma_wait3A_23 = arith.constant 0 : i32
      %dma_wait3A_24 = tpu.memref_slice %arg4[%add3A_4, %dma_wait3A_23] : memref<8192x256xf32, #tpu.memory_space<hbm>> -> memref<128x256xf32, #tpu.memory_space<hbm>>
      tpu.wait_dma2 semaphore(%run_scoped3A : memref<!tpu.dma_semaphore, #tpu.memory_space<semaphore_mem>>) src(%arg6 : memref<128x256xf32, #tpu.memory_space<vmem>>) dst(%dma_wait3A_24 : memref<128x256xf32, #tpu.memory_space<hbm>>)
      tpu.yield
    }) : () -> ()
    %add3A_9 = arith.constant 128 : i32
    %add3A_10 = arith.addi %mul3A_2, %add3A_9 : i32
    "tpu.region"() ({
      %run_scoped3A = tpu.sem_alloc : memref<!tpu.dma_semaphore, #tpu.memory_space<semaphore_mem>>
      %dma_start3A_17 = tpu.memref_slice %arg3[%add3A_10] : memref<8192xi32, #tpu.memory_space<hbm>> -> memref<128xi32, #tpu.memory_space<hbm>>
      %dma_start3A_18 = tpu.memref_slice %arg3[%add3A_10] : memref<8192xi32, #tpu.memory_space<hbm>> -> memref<128xi32, #tpu.memory_space<hbm>>
      tpu.enqueue_dma source(%dma_start3A_18 : memref<128xi32, #tpu.memory_space<hbm>>) target(%arg5 : memref<128xi32, #tpu.memory_space<vmem>>) target_semaphore(%run_scoped3A : memref<!tpu.dma_semaphore, #tpu.memory_space<semaphore_mem>>)
      %dma_wait3A_19 = tpu.memref_slice %arg3[%add3A_10] : memref<8192xi32, #tpu.memory_space<hbm>> -> memref<128xi32, #tpu.memory_space<hbm>>
      %dma_wait3A_20 = tpu.memref_slice %arg3[%add3A_10] : memref<8192xi32, #tpu.memory_space<hbm>> -> memref<128xi32, #tpu.memory_space<hbm>>
      tpu.wait_dma2 semaphore(%run_scoped3A : memref<!tpu.dma_semaphore, #tpu.memory_space<semaphore_mem>>) src(%dma_wait3A_20 : memref<128xi32, #tpu.memory_space<hbm>>) dst(%arg5 : memref<128xi32, #tpu.memory_space<vmem>>)
      tpu.yield
    }) : () -> ()
    %dma_start3A_11 = arith.constant 0 : i32
    %dma_start3A_12 = arith.constant 0 : i32
    %dma_start3A_13 = tpu.memref_slice %arg2[%dma_start3A_11, %dma_start3A_12] : memref<24x256xf32, #tpu.memory_space<hbm>> -> memref<24x256xf32, #tpu.memory_space<hbm>>
    tpu.enqueue_indirect_dma source(%dma_start3A_13 : memref<24x256xf32, #tpu.memory_space<hbm>>) target(%arg6 : memref<128x256xf32, #tpu.memory_space<vmem>>) offsets(%arg5 : memref<128xi32, #tpu.memory_space<vmem>>) semaphore(%arg7 : memref<!tpu.dma_semaphore, #tpu.memory_space<semaphore_mem>>)
    %dma_wait3A_14 = arith.constant 0 : i32
    %dma_wait3A_15 = arith.constant 0 : i32
    %dma_wait3A_16 = tpu.memref_slice %arg2[%dma_wait3A_14, %dma_wait3A_15] : memref<24x256xf32, #tpu.memory_space<hbm>> -> memref<24x256xf32, #tpu.memory_space<hbm>>
    tpu.wait_indirect_dma semaphore(%arg7 : memref<!tpu.dma_semaphore, #tpu.memory_space<semaphore_mem>>) src(%dma_wait3A_16 : memref<24x256xf32, #tpu.memory_space<hbm>>) dst(%arg6 : memref<128x256xf32, #tpu.memory_space<vmem>>)
    "tpu.region"() ({
      %run_scoped3A = tpu.sem_alloc : memref<!tpu.dma_semaphore, #tpu.memory_space<semaphore_mem>>
      %dma_start3A_17 = arith.constant 0 : i32
      %dma_start3A_18 = tpu.memref_slice %arg4[%add3A_10, %dma_start3A_17] : memref<8192x256xf32, #tpu.memory_space<hbm>> -> memref<128x256xf32, #tpu.memory_space<hbm>>
      %dma_start3A_19 = arith.constant 0 : i32
      %dma_start3A_20 = tpu.memref_slice %arg4[%add3A_10, %dma_start3A_19] : memref<8192x256xf32, #tpu.memory_space<hbm>> -> memref<128x256xf32, #tpu.memory_space<hbm>>
      tpu.enqueue_dma source(%arg6 : memref<128x256xf32, #tpu.memory_space<vmem>>) target(%dma_start3A_20 : memref<128x256xf32, #tpu.memory_space<hbm>>) target_semaphore(%run_scoped3A : memref<!tpu.dma_semaphore, #tpu.memory_space<semaphore_mem>>)
      %dma_wait3A_21 = arith.constant 0 : i32
      %dma_wait3A_22 = tpu.memref_slice %arg4[%add3A_10, %dma_wait3A_21] : memref<8192x256xf32, #tpu.memory_space<hbm>> -> memref<128x256xf32, #tpu.memory_space<hbm>>
      %dma_wait3A_23 = arith.constant 0 : i32
      %dma_wait3A_24 = tpu.memref_slice %arg4[%add3A_10, %dma_wait3A_23] : memref<8192x256xf32, #tpu.memory_space<hbm>> -> memref<128x256xf32, #tpu.memory_space<hbm>>
      tpu.wait_dma2 semaphore(%run_scoped3A : memref<!tpu.dma_semaphore, #tpu.memory_space<semaphore_mem>>) src(%arg6 : memref<128x256xf32, #tpu.memory_space<vmem>>) dst(%dma_wait3A_24 : memref<128x256xf32, #tpu.memory_space<hbm>>)
      tpu.yield
    }) : () -> ()
    return
  }
}

module attributes {stable_mosaic.version = 14 : i64} {
  func.func @_encoder_kernel(%arg0: i32, %arg1: memref<6144x8xbf16, #tpu.memory_space<vmem>>, %arg2: memref<6144x1xf32, #tpu.memory_space<vmem>>, %arg3: memref<256x1xf32, #tpu.memory_space<vmem>>, %arg4: memref<256x1xf32, #tpu.memory_space<vmem>>, %arg5: memref<256x256xf32, #tpu.memory_space<vmem>>, %arg6: memref<8x128xbf16, #tpu.memory_space<vmem>>, %arg7: memref<128x256xbf16, #tpu.memory_space<vmem>>, %arg8: memref<1x256xf32, #tpu.memory_space<vmem>>, %arg9: memref<256x256xbf16, #tpu.memory_space<vmem>>, %arg10: memref<256x256xbf16, #tpu.memory_space<vmem>>, %arg11: memref<1x256xf32, #tpu.memory_space<vmem>>, %arg12: memref<256x128xbf16, #tpu.memory_space<vmem>>, %arg13: memref<1x128xf32, #tpu.memory_space<vmem>>, %arg14: memref<256x64xbf16, #tpu.memory_space<vmem>>, %arg15: memref<256x64xbf16, #tpu.memory_space<vmem>>, %arg16: memref<64x128xbf16, #tpu.memory_space<vmem>>, %arg17: memref<64x128xbf16, #tpu.memory_space<vmem>>, %arg18: memref<1x128xf32, #tpu.memory_space<vmem>>, %arg19: memref<1x128xf32, #tpu.memory_space<vmem>>, %arg20: memref<1x128xf32, #tpu.memory_space<vmem>>, %arg21: memref<1x128xf32, #tpu.memory_space<vmem>>, %arg22: memref<128x128xf32, #tpu.memory_space<vmem>>, %arg23: memref<1x128xf32, #tpu.memory_space<vmem>>, %arg24: memref<256x128xf32, #tpu.memory_space<vmem>>, %arg25: memref<256x128xf32, #tpu.memory_space<vmem>>) attributes {dimension_semantics = [#tpu.dimension_semantics<parallel>], iteration_bounds = array<i64: 32>, scalar_prefetch = 0 : i64, scratch_operands = 0 : i64, tpu.core_type = #tpu.core_type<tc>, window_params = [{transform_indices = @transform_0, window_bounds = array<i64: 6144, 8>}, {transform_indices = @transform_1, window_bounds = array<i64: 6144, 1>}, {transform_indices = @transform_2, window_bounds = array<i64: 256, 1>}, {transform_indices = @transform_3, window_bounds = array<i64: 256, 1>}, {transform_indices = @transform_4, window_bounds = array<i64: 256, 256>}, {pipeline_mode = #tpu.pipeline_mode<synchronous>, transform_indices = @transform_5, window_bounds = array<i64: 8, 128>}, {pipeline_mode = #tpu.pipeline_mode<synchronous>, transform_indices = @transform_6, window_bounds = array<i64: 128, 256>}, {pipeline_mode = #tpu.pipeline_mode<synchronous>, transform_indices = @transform_7, window_bounds = array<i64: 1, 256>}, {pipeline_mode = #tpu.pipeline_mode<synchronous>, transform_indices = @transform_8, window_bounds = array<i64: 256, 256>}, {pipeline_mode = #tpu.pipeline_mode<synchronous>, transform_indices = @transform_9, window_bounds = array<i64: 256, 256>}, {pipeline_mode = #tpu.pipeline_mode<synchronous>, transform_indices = @transform_10, window_bounds = array<i64: 1, 256>}, {pipeline_mode = #tpu.pipeline_mode<synchronous>, transform_indices = @transform_11, window_bounds = array<i64: 256, 128>}, {pipeline_mode = #tpu.pipeline_mode<synchronous>, transform_indices = @transform_12, window_bounds = array<i64: 1, 128>}, {transform_indices = @transform_13, window_bounds = array<i64: 256, 64>}, {transform_indices = @transform_14, window_bounds = array<i64: 256, 64>}, {pipeline_mode = #tpu.pipeline_mode<synchronous>, transform_indices = @transform_15, window_bounds = array<i64: 64, 128>}, {pipeline_mode = #tpu.pipeline_mode<synchronous>, transform_indices = @transform_16, window_bounds = array<i64: 64, 128>}, {pipeline_mode = #tpu.pipeline_mode<synchronous>, transform_indices = @transform_17, window_bounds = array<i64: 1, 128>}, {pipeline_mode = #tpu.pipeline_mode<synchronous>, transform_indices = @transform_18, window_bounds = array<i64: 1, 128>}, {pipeline_mode = #tpu.pipeline_mode<synchronous>, transform_indices = @transform_19, window_bounds = array<i64: 1, 128>}, {pipeline_mode = #tpu.pipeline_mode<synchronous>, transform_indices = @transform_20, window_bounds = array<i64: 1, 128>}, {pipeline_mode = #tpu.pipeline_mode<synchronous>, transform_indices = @transform_21, window_bounds = array<i64: 128, 128>}, {pipeline_mode = #tpu.pipeline_mode<synchronous>, transform_indices = @transform_22, window_bounds = array<i64: 1, 128>}, {transform_indices = @transform_23, window_bounds = array<i64: 256, 128>}, {transform_indices = @transform_24, window_bounds = array<i64: 256, 128>}]} {
    %get3A = arith.constant 0 : index
    %get3A_0 = arith.constant 0 : index
    %get3A_1 = vector.load %arg1[%get3A, %get3A_0] : memref<6144x8xbf16, #tpu.memory_space<vmem>>, vector<6144x8xbf16>
    %get3A_2 = arith.constant 0 : index
    %get3A_3 = arith.constant 0 : index
    %get3A_4 = vector.load %arg6[%get3A_2, %get3A_3] : memref<8x128xbf16, #tpu.memory_space<vmem>>, vector<8x128xbf16>
    %dot_general3A = arith.constant dense<0.000000e+00> : vector<6144x128xf32>
    %dot_general3A_5 = tpu.matmul %get3A_1, %get3A_4, %dot_general3A {dimension_numbers = #tpu.dot_dimension_numbers<[1], [0], [0], [1], [0, 0, 1, 1], [], []>, transpose_lhs_hint = false} : vector<6144x8xbf16>, vector<8x128xbf16>, vector<6144x128xf32> -> vector<6144x128xf32>
    %max3A = arith.constant 0.000000e+00 : f32
    %max3A_6 = vector.broadcast %max3A : f32 to vector<6144x128xf32>
    %max3A_7 = arith.maximumf %dot_general3A_5, %max3A_6 : vector<6144x128xf32>
    %convert_element_type3A = arith.truncf %max3A_7 : vector<6144x128xf32> to vector<6144x128xbf16>
    %get3A_8 = arith.constant 0 : index
    %get3A_9 = arith.constant 0 : index
    %get3A_10 = vector.load %arg7[%get3A_8, %get3A_9] : memref<128x256xbf16, #tpu.memory_space<vmem>>, vector<128x256xbf16>
    %dot_general3A_11 = arith.constant dense<0.000000e+00> : vector<6144x256xf32>
    %dot_general3A_12 = tpu.matmul %convert_element_type3A, %get3A_10, %dot_general3A_11 {dimension_numbers = #tpu.dot_dimension_numbers<[1], [0], [0], [1], [0, 0, 1, 1], [], []>, transpose_lhs_hint = false} : vector<6144x128xbf16>, vector<128x256xbf16>, vector<6144x256xf32> -> vector<6144x256xf32>
    %get3A_13 = arith.constant 0 : index
    %get3A_14 = arith.constant 0 : index
    %get3A_15 = vector.load %arg8[%get3A_13, %get3A_14] : memref<1x256xf32, #tpu.memory_space<vmem>>, vector<1x256xf32>
    %add3A = vector.broadcast %get3A_15 : vector<1x256xf32> to vector<6144x256xf32>
    %add3A_16 = arith.addf %dot_general3A_12, %add3A : vector<6144x256xf32>
    %get3A_17 = arith.constant 0 : index
    %get3A_18 = arith.constant 0 : index
    %get3A_19 = vector.load %arg2[%get3A_17, %get3A_18] : memref<6144x1xf32, #tpu.memory_space<vmem>>, vector<6144x1xf32>
    %mul3A = vector.broadcast %get3A_19 : vector<6144x1xf32> to vector<6144x256xf32>
    %mul3A_20 = arith.mulf %add3A_16, %mul3A : vector<6144x256xf32>
    %iota3A = tpu.iota {dimensions = array<i32: 1>} : vector<256x8x1xi32>
    %ge3A = arith.constant 4 : i32
    %ge3A_21 = vector.broadcast %ge3A : i32 to vector<256x8x1xi32>
    %ge3A_22 = arith.cmpi sge, %iota3A, %ge3A_21 : vector<256x8x1xi32>
    %jit3A = arith.constant -1.000000e+30 : f32
    %jit3A_23 = arith.constant 0.000000e+00 : f32
    %broadcast_in_dim3A = vector.broadcast %jit3A : f32 to vector<256x8x1xf32>
    %broadcast_in_dim3A_24 = vector.broadcast %jit3A_23 : f32 to vector<256x8x1xf32>
    %select_n3A = arith.select %ge3A_22, %broadcast_in_dim3A, %broadcast_in_dim3A_24 : vector<256x8x1xi1>, vector<256x8x1xf32>
    %reshape3A = vector.shape_cast %mul3A_20 : vector<6144x256xf32> to vector<256x24x256xf32>
    %slice3A = vector.extract_strided_slice %reshape3A {offsets = [0, 0, 0], sizes = [256, 8, 256], strides = [1, 1, 1]} : vector<256x24x256xf32> to vector<256x8x256xf32>
    %slice3A_25 = vector.extract_strided_slice %reshape3A {offsets = [0, 8, 0], sizes = [256, 8, 256], strides = [1, 1, 1]} : vector<256x24x256xf32> to vector<256x8x256xf32>
    %max3A_26 = arith.maximumf %slice3A, %slice3A_25 : vector<256x8x256xf32>
    %slice3A_27 = vector.extract_strided_slice %reshape3A {offsets = [0, 16, 0], sizes = [256, 8, 256], strides = [1, 1, 1]} : vector<256x24x256xf32> to vector<256x8x256xf32>
    %add3A_28 = vector.broadcast %select_n3A : vector<256x8x1xf32> to vector<256x8x256xf32>
    %add3A_29 = arith.addf %slice3A_27, %add3A_28 : vector<256x8x256xf32>
    %max3A_30 = arith.maximumf %max3A_26, %add3A_29 : vector<256x8x256xf32>
    %reduce_max3A = arith.constant dense<0xFF800000> : vector<256x256xf32>
    %reduce_max3A_31 = vector.multi_reduction <maximumf>, %max3A_30, %reduce_max3A [1] : vector<256x8x256xf32> to vector<256x256xf32>
    %convert_element_type3A_32 = arith.truncf %reduce_max3A_31 : vector<256x256xf32> to vector<256x256xbf16>
    %get3A_33 = arith.constant 0 : index
    %get3A_34 = arith.constant 0 : index
    %get3A_35 = vector.load %arg10[%get3A_33, %get3A_34] : memref<256x256xbf16, #tpu.memory_space<vmem>>, vector<256x256xbf16>
    %dot_general3A_36 = arith.constant dense<0.000000e+00> : vector<256x256xf32>
    %dot_general3A_37 = tpu.matmul %convert_element_type3A_32, %get3A_35, %dot_general3A_36 {dimension_numbers = #tpu.dot_dimension_numbers<[1], [0], [0], [1], [0, 0, 1, 1], [], []>, transpose_lhs_hint = false} : vector<256x256xbf16>, vector<256x256xbf16>, vector<256x256xf32> -> vector<256x256xf32>
    %get3A_38 = arith.constant 0 : index
    %get3A_39 = arith.constant 0 : index
    %get3A_40 = vector.load %arg11[%get3A_38, %get3A_39] : memref<1x256xf32, #tpu.memory_space<vmem>>, vector<1x256xf32>
    %add3A_41 = vector.broadcast %get3A_40 : vector<1x256xf32> to vector<256x256xf32>
    %add3A_42 = arith.addf %dot_general3A_37, %add3A_41 : vector<256x256xf32>
    %reshape3A_43 = vector.shape_cast %add3A_42 : vector<256x256xf32> to vector<256x1x256xf32>
    %broadcast_in_dim3A_44 = vector.shape_cast %reshape3A_43 : vector<256x1x256xf32> to vector<256x1x256xf32>
    %broadcast_in_dim3A_45 = vector.broadcast %broadcast_in_dim3A_44 : vector<256x1x256xf32> to vector<256x24x256xf32>
    %reshape3A_46 = vector.shape_cast %broadcast_in_dim3A_45 : vector<256x24x256xf32> to vector<6144x256xf32>
    %convert_element_type3A_47 = arith.truncf %mul3A_20 : vector<6144x256xf32> to vector<6144x256xbf16>
    %get3A_48 = arith.constant 0 : index
    %get3A_49 = arith.constant 0 : index
    %get3A_50 = vector.load %arg9[%get3A_48, %get3A_49] : memref<256x256xbf16, #tpu.memory_space<vmem>>, vector<256x256xbf16>
    %dot_general3A_51 = arith.constant dense<0.000000e+00> : vector<6144x256xf32>
    %dot_general3A_52 = tpu.matmul %convert_element_type3A_47, %get3A_50, %dot_general3A_51 {dimension_numbers = #tpu.dot_dimension_numbers<[1], [0], [0], [1], [0, 0, 1, 1], [], []>, transpose_lhs_hint = false} : vector<6144x256xbf16>, vector<256x256xbf16>, vector<6144x256xf32> -> vector<6144x256xf32>
    %add3A_53 = arith.addf %dot_general3A_52, %reshape3A_46 : vector<6144x256xf32>
    %max3A_54 = arith.constant 0.000000e+00 : f32
    %max3A_55 = vector.broadcast %max3A_54 : f32 to vector<6144x256xf32>
    %max3A_56 = arith.maximumf %add3A_53, %max3A_55 : vector<6144x256xf32>
    %convert_element_type3A_57 = arith.truncf %max3A_56 : vector<6144x256xf32> to vector<6144x256xbf16>
    %get3A_58 = arith.constant 0 : index
    %get3A_59 = arith.constant 0 : index
    %get3A_60 = vector.load %arg12[%get3A_58, %get3A_59] : memref<256x128xbf16, #tpu.memory_space<vmem>>, vector<256x128xbf16>
    %dot_general3A_61 = arith.constant dense<0.000000e+00> : vector<6144x128xf32>
    %dot_general3A_62 = tpu.matmul %convert_element_type3A_57, %get3A_60, %dot_general3A_61 {dimension_numbers = #tpu.dot_dimension_numbers<[1], [0], [0], [1], [0, 0, 1, 1], [], []>, transpose_lhs_hint = false} : vector<6144x256xbf16>, vector<256x128xbf16>, vector<6144x128xf32> -> vector<6144x128xf32>
    %get3A_63 = arith.constant 0 : index
    %get3A_64 = arith.constant 0 : index
    %get3A_65 = vector.load %arg13[%get3A_63, %get3A_64] : memref<1x128xf32, #tpu.memory_space<vmem>>, vector<1x128xf32>
    %add3A_66 = vector.broadcast %get3A_65 : vector<1x128xf32> to vector<6144x128xf32>
    %add3A_67 = arith.addf %dot_general3A_62, %add3A_66 : vector<6144x128xf32>
    %mul3A_68 = vector.broadcast %get3A_19 : vector<6144x1xf32> to vector<6144x128xf32>
    %mul3A_69 = arith.mulf %add3A_67, %mul3A_68 : vector<6144x128xf32>
    %reshape3A_70 = vector.shape_cast %mul3A_69 : vector<6144x128xf32> to vector<256x24x128xf32>
    %slice3A_71 = vector.extract_strided_slice %reshape3A_70 {offsets = [0, 0, 0], sizes = [256, 8, 128], strides = [1, 1, 1]} : vector<256x24x128xf32> to vector<256x8x128xf32>
    %slice3A_72 = vector.extract_strided_slice %reshape3A_70 {offsets = [0, 8, 0], sizes = [256, 8, 128], strides = [1, 1, 1]} : vector<256x24x128xf32> to vector<256x8x128xf32>
    %max3A_73 = arith.maximumf %slice3A_71, %slice3A_72 : vector<256x8x128xf32>
    %slice3A_74 = vector.extract_strided_slice %reshape3A_70 {offsets = [0, 16, 0], sizes = [256, 8, 128], strides = [1, 1, 1]} : vector<256x24x128xf32> to vector<256x8x128xf32>
    %add3A_75 = vector.broadcast %select_n3A : vector<256x8x1xf32> to vector<256x8x128xf32>
    %add3A_76 = arith.addf %slice3A_74, %add3A_75 : vector<256x8x128xf32>
    %max3A_77 = arith.maximumf %max3A_73, %add3A_76 : vector<256x8x128xf32>
    %reduce_max3A_78 = arith.constant dense<0xFF800000> : vector<256x128xf32>
    %reduce_max3A_79 = vector.multi_reduction <maximumf>, %max3A_77, %reduce_max3A_78 [1] : vector<256x8x128xf32> to vector<256x128xf32>
    %get3A_80 = arith.constant 0 : index
    %get3A_81 = arith.constant 0 : index
    %get3A_82 = vector.load %arg3[%get3A_80, %get3A_81] : memref<256x1xf32, #tpu.memory_space<vmem>>, vector<256x1xf32>
    %get3A_83 = arith.constant 0 : index
    %get3A_84 = arith.constant 0 : index
    %get3A_85 = vector.load %arg14[%get3A_83, %get3A_84] : memref<256x64xbf16, #tpu.memory_space<vmem>>, vector<256x64xbf16>
    %get3A_86 = arith.constant 0 : index
    %get3A_87 = arith.constant 0 : index
    %get3A_88 = vector.load %arg16[%get3A_86, %get3A_87] : memref<64x128xbf16, #tpu.memory_space<vmem>>, vector<64x128xbf16>
    %dot_general3A_89 = arith.constant dense<0.000000e+00> : vector<256x128xf32>
    %dot_general3A_90 = tpu.matmul %get3A_85, %get3A_88, %dot_general3A_89 {dimension_numbers = #tpu.dot_dimension_numbers<[1], [0], [0], [1], [0, 0, 1, 1], [], []>, transpose_lhs_hint = false} : vector<256x64xbf16>, vector<64x128xbf16>, vector<256x128xf32> -> vector<256x128xf32>
    %get3A_91 = arith.constant 0 : index
    %get3A_92 = arith.constant 0 : index
    %get3A_93 = vector.load %arg15[%get3A_91, %get3A_92] : memref<256x64xbf16, #tpu.memory_space<vmem>>, vector<256x64xbf16>
    %get3A_94 = arith.constant 0 : index
    %get3A_95 = arith.constant 0 : index
    %get3A_96 = vector.load %arg17[%get3A_94, %get3A_95] : memref<64x128xbf16, #tpu.memory_space<vmem>>, vector<64x128xbf16>
    %dot_general3A_97 = arith.constant dense<0.000000e+00> : vector<256x128xf32>
    %dot_general3A_98 = tpu.matmul %get3A_93, %get3A_96, %dot_general3A_97 {dimension_numbers = #tpu.dot_dimension_numbers<[1], [0], [0], [1], [0, 0, 1, 1], [], []>, transpose_lhs_hint = false} : vector<256x64xbf16>, vector<64x128xbf16>, vector<256x128xf32> -> vector<256x128xf32>
    %add3A_99 = arith.addf %dot_general3A_90, %dot_general3A_98 : vector<256x128xf32>
    %get3A_100 = arith.constant 0 : index
    %get3A_101 = arith.constant 0 : index
    %get3A_102 = vector.load %arg18[%get3A_100, %get3A_101] : memref<1x128xf32, #tpu.memory_space<vmem>>, vector<1x128xf32>
    %mul3A_103 = vector.broadcast %get3A_82 : vector<256x1xf32> to vector<256x128xf32>
    %mul3A_104 = vector.broadcast %get3A_102 : vector<1x128xf32> to vector<256x128xf32>
    %mul3A_105 = arith.mulf %mul3A_103, %mul3A_104 : vector<256x128xf32>
    %add3A_106 = arith.addf %add3A_99, %mul3A_105 : vector<256x128xf32>
    %get3A_107 = arith.constant 0 : index
    %get3A_108 = arith.constant 0 : index
    %get3A_109 = vector.load %arg19[%get3A_107, %get3A_108] : memref<1x128xf32, #tpu.memory_space<vmem>>, vector<1x128xf32>
    %add3A_110 = vector.broadcast %get3A_109 : vector<1x128xf32> to vector<256x128xf32>
    %add3A_111 = arith.addf %add3A_106, %add3A_110 : vector<256x128xf32>
    %reduce_sum3A = arith.constant dense<0.000000e+00> : vector<256xf32>
    %reduce_sum3A_112 = vector.multi_reduction <add>, %add3A_111, %reduce_sum3A [1] : vector<256x128xf32> to vector<256xf32>
    %broadcast_in_dim3A_113 = vector.shape_cast %reduce_sum3A_112 : vector<256xf32> to vector<256x1xf32>
    %div3A = arith.constant 1.280000e+02 : f32
    %div3A_114 = vector.broadcast %div3A : f32 to vector<256x1xf32>
    %div3A_115 = arith.divf %broadcast_in_dim3A_113, %div3A_114 : vector<256x1xf32>
    %sub3A = vector.broadcast %div3A_115 : vector<256x1xf32> to vector<256x128xf32>
    %sub3A_116 = arith.subf %add3A_111, %sub3A : vector<256x128xf32>
    %integer_pow3A = arith.mulf %sub3A_116, %sub3A_116 : vector<256x128xf32>
    %reduce_sum3A_117 = arith.constant dense<0.000000e+00> : vector<256xf32>
    %reduce_sum3A_118 = vector.multi_reduction <add>, %integer_pow3A, %reduce_sum3A_117 [1] : vector<256x128xf32> to vector<256xf32>
    %broadcast_in_dim3A_119 = vector.shape_cast %reduce_sum3A_118 : vector<256xf32> to vector<256x1xf32>
    %div3A_120 = arith.constant 1.280000e+02 : f32
    %div3A_121 = vector.broadcast %div3A_120 : f32 to vector<256x1xf32>
    %div3A_122 = arith.divf %broadcast_in_dim3A_119, %div3A_121 : vector<256x1xf32>
    %sub3A_123 = vector.broadcast %div3A_115 : vector<256x1xf32> to vector<256x128xf32>
    %sub3A_124 = arith.subf %add3A_111, %sub3A_123 : vector<256x128xf32>
    %add3A_125 = arith.constant 9.99999974E-6 : f32
    %add3A_126 = vector.broadcast %add3A_125 : f32 to vector<256x1xf32>
    %add3A_127 = arith.addf %div3A_122, %add3A_126 : vector<256x1xf32>
    %sqrt3A = math.sqrt %add3A_127 : vector<256x1xf32>
    %div3A_128 = vector.broadcast %sqrt3A : vector<256x1xf32> to vector<256x128xf32>
    %div3A_129 = arith.divf %sub3A_124, %div3A_128 : vector<256x128xf32>
    %get3A_130 = arith.constant 0 : index
    %get3A_131 = arith.constant 0 : index
    %get3A_132 = vector.load %arg20[%get3A_130, %get3A_131] : memref<1x128xf32, #tpu.memory_space<vmem>>, vector<1x128xf32>
    %mul3A_133 = vector.broadcast %get3A_132 : vector<1x128xf32> to vector<256x128xf32>
    %mul3A_134 = arith.mulf %div3A_129, %mul3A_133 : vector<256x128xf32>
    %get3A_135 = arith.constant 0 : index
    %get3A_136 = arith.constant 0 : index
    %get3A_137 = vector.load %arg21[%get3A_135, %get3A_136] : memref<1x128xf32, #tpu.memory_space<vmem>>, vector<1x128xf32>
    %add3A_138 = vector.broadcast %get3A_137 : vector<1x128xf32> to vector<256x128xf32>
    %add3A_139 = arith.addf %mul3A_134, %add3A_138 : vector<256x128xf32>
    %max3A_140 = arith.constant 0.000000e+00 : f32
    %max3A_141 = vector.broadcast %max3A_140 : f32 to vector<256x128xf32>
    %max3A_142 = arith.maximumf %add3A_139, %max3A_141 : vector<256x128xf32>
    %get3A_143 = arith.constant 0 : index
    %get3A_144 = arith.constant 0 : index
    %get3A_145 = vector.load %arg22[%get3A_143, %get3A_144] : memref<128x128xf32, #tpu.memory_space<vmem>>, vector<128x128xf32>
    %dot_general3A_146 = arith.constant dense<0.000000e+00> : vector<256x128xf32>
    %dot_general3A_147 = tpu.matmul %max3A_142, %get3A_145, %dot_general3A_146 {dimension_numbers = #tpu.dot_dimension_numbers<[1], [0], [0], [1], [0, 0, 1, 1], [], []>, transpose_lhs_hint = false} : vector<256x128xf32>, vector<128x128xf32>, vector<256x128xf32> -> vector<256x128xf32>
    %get3A_148 = arith.constant 0 : index
    %get3A_149 = arith.constant 0 : index
    %get3A_150 = vector.load %arg23[%get3A_148, %get3A_149] : memref<1x128xf32, #tpu.memory_space<vmem>>, vector<1x128xf32>
    %add3A_151 = vector.broadcast %get3A_150 : vector<1x128xf32> to vector<256x128xf32>
    %add3A_152 = arith.addf %dot_general3A_147, %add3A_151 : vector<256x128xf32>
    %get3A_153 = arith.constant 0 : index
    %get3A_154 = arith.constant 0 : index
    %get3A_155 = vector.load %arg4[%get3A_153, %get3A_154] : memref<256x1xf32, #tpu.memory_space<vmem>>, vector<256x1xf32>
    %mul3A_156 = vector.broadcast %get3A_155 : vector<256x1xf32> to vector<256x128xf32>
    %mul3A_157 = arith.mulf %add3A_152, %mul3A_156 : vector<256x128xf32>
    %add3A_158 = arith.addf %reduce_max3A_79, %mul3A_157 : vector<256x128xf32>
    %get3A_159 = arith.constant 0 : index
    %get3A_160 = arith.constant 0 : index
    %get3A_161 = vector.load %arg5[%get3A_159, %get3A_160] : memref<256x256xf32, #tpu.memory_space<vmem>>, vector<256x256xf32>
    %slice3A_162 = vector.extract_strided_slice %get3A_161 {offsets = [0, 0], sizes = [256, 128], strides = [1, 1]} : vector<256x256xf32> to vector<256x128xf32>
    %add3A_163 = arith.addf %add3A_158, %slice3A_162 : vector<256x128xf32>
    %swap3A = arith.constant 0 : index
    %swap3A_164 = arith.constant 0 : index
    %swap3A_165 = vector.load %arg24[%swap3A, %swap3A_164] : memref<256x128xf32, #tpu.memory_space<vmem>>, vector<256x128xf32>
    tpu.vector_store %arg24[%swap3A, %swap3A_164], %add3A_163 {strides = array<i32>} : memref<256x128xf32, #tpu.memory_space<vmem>>, vector<256x128xf32>,
    %slice3A_166 = vector.extract_strided_slice %get3A_161 {offsets = [0, 128], sizes = [256, 128], strides = [1, 1]} : vector<256x256xf32> to vector<256x128xf32>
    %add3A_167 = arith.addf %add3A_158, %slice3A_166 : vector<256x128xf32>
    %swap3A_168 = arith.constant 0 : index
    %swap3A_169 = arith.constant 0 : index
    %swap3A_170 = vector.load %arg25[%swap3A_168, %swap3A_169] : memref<256x128xf32, #tpu.memory_space<vmem>>, vector<256x128xf32>
    tpu.vector_store %arg25[%swap3A_168, %swap3A_169], %add3A_167 {strides = array<i32>} : memref<256x128xf32, #tpu.memory_space<vmem>>, vector<256x128xf32>,
    return
  }
  func.func @transform_0(%arg0: i32) -> (i32, i32) {
    %c0_i32 = arith.constant 0 : i32
    %c0_i32_0 = arith.constant 0 : i32
    return %arg0, %c0_i32 : i32, i32
  }
  func.func @transform_1(%arg0: i32) -> (i32, i32) {
    %c0_i32 = arith.constant 0 : i32
    %c0_i32_0 = arith.constant 0 : i32
    return %arg0, %c0_i32 : i32, i32
  }
  func.func @transform_2(%arg0: i32) -> (i32, i32) {
    %c0_i32 = arith.constant 0 : i32
    %c0_i32_0 = arith.constant 0 : i32
    return %arg0, %c0_i32 : i32, i32
  }
  func.func @transform_3(%arg0: i32) -> (i32, i32) {
    %c0_i32 = arith.constant 0 : i32
    %c0_i32_0 = arith.constant 0 : i32
    return %arg0, %c0_i32 : i32, i32
  }
  func.func @transform_4(%arg0: i32) -> (i32, i32) {
    %c0_i32 = arith.constant 0 : i32
    %c0_i32_0 = arith.constant 0 : i32
    return %arg0, %c0_i32 : i32, i32
  }
  func.func @transform_5(%arg0: i32) -> (i32, i32) {
    %c0_i32 = arith.constant 0 : i32
    %c0_i32_0 = arith.constant 0 : i32
    %c0_i32_1 = arith.constant 0 : i32
    return %c0_i32, %c0_i32_0 : i32, i32
  }
  func.func @transform_6(%arg0: i32) -> (i32, i32) {
    %c0_i32 = arith.constant 0 : i32
    %c0_i32_0 = arith.constant 0 : i32
    %c0_i32_1 = arith.constant 0 : i32
    return %c0_i32, %c0_i32_0 : i32, i32
  }
  func.func @transform_7(%arg0: i32) -> (i32, i32) {
    %c0_i32 = arith.constant 0 : i32
    %c0_i32_0 = arith.constant 0 : i32
    %c0_i32_1 = arith.constant 0 : i32
    return %c0_i32, %c0_i32_0 : i32, i32
  }
  func.func @transform_8(%arg0: i32) -> (i32, i32) {
    %c0_i32 = arith.constant 0 : i32
    %c0_i32_0 = arith.constant 0 : i32
    %c0_i32_1 = arith.constant 0 : i32
    return %c0_i32, %c0_i32_0 : i32, i32
  }
  func.func @transform_9(%arg0: i32) -> (i32, i32) {
    %c0_i32 = arith.constant 0 : i32
    %c0_i32_0 = arith.constant 0 : i32
    %c0_i32_1 = arith.constant 0 : i32
    return %c0_i32, %c0_i32_0 : i32, i32
  }
  func.func @transform_10(%arg0: i32) -> (i32, i32) {
    %c0_i32 = arith.constant 0 : i32
    %c0_i32_0 = arith.constant 0 : i32
    %c0_i32_1 = arith.constant 0 : i32
    return %c0_i32, %c0_i32_0 : i32, i32
  }
  func.func @transform_11(%arg0: i32) -> (i32, i32) {
    %c0_i32 = arith.constant 0 : i32
    %c0_i32_0 = arith.constant 0 : i32
    %c0_i32_1 = arith.constant 0 : i32
    return %c0_i32, %c0_i32_0 : i32, i32
  }
  func.func @transform_12(%arg0: i32) -> (i32, i32) {
    %c0_i32 = arith.constant 0 : i32
    %c0_i32_0 = arith.constant 0 : i32
    %c0_i32_1 = arith.constant 0 : i32
    return %c0_i32, %c0_i32_0 : i32, i32
  }
  func.func @transform_13(%arg0: i32) -> (i32, i32) {
    %c0_i32 = arith.constant 0 : i32
    %c0_i32_0 = arith.constant 0 : i32
    return %arg0, %c0_i32 : i32, i32
  }
  func.func @transform_14(%arg0: i32) -> (i32, i32) {
    %c0_i32 = arith.constant 0 : i32
    %c0_i32_0 = arith.constant 0 : i32
    return %arg0, %c0_i32 : i32, i32
  }
  func.func @transform_15(%arg0: i32) -> (i32, i32) {
    %c0_i32 = arith.constant 0 : i32
    %c0_i32_0 = arith.constant 0 : i32
    %c0_i32_1 = arith.constant 0 : i32
    return %c0_i32, %c0_i32_0 : i32, i32
  }
  func.func @transform_16(%arg0: i32) -> (i32, i32) {
    %c0_i32 = arith.constant 0 : i32
    %c0_i32_0 = arith.constant 0 : i32
    %c0_i32_1 = arith.constant 0 : i32
    return %c0_i32, %c0_i32_0 : i32, i32
  }
  func.func @transform_17(%arg0: i32) -> (i32, i32) {
    %c0_i32 = arith.constant 0 : i32
    %c0_i32_0 = arith.constant 0 : i32
    %c0_i32_1 = arith.constant 0 : i32
    return %c0_i32, %c0_i32_0 : i32, i32
  }
  func.func @transform_18(%arg0: i32) -> (i32, i32) {
    %c0_i32 = arith.constant 0 : i32
    %c0_i32_0 = arith.constant 0 : i32
    %c0_i32_1 = arith.constant 0 : i32
    return %c0_i32, %c0_i32_0 : i32, i32
  }
  func.func @transform_19(%arg0: i32) -> (i32, i32) {
    %c0_i32 = arith.constant 0 : i32
    %c0_i32_0 = arith.constant 0 : i32
    %c0_i32_1 = arith.constant 0 : i32
    return %c0_i32, %c0_i32_0 : i32, i32
  }
  func.func @transform_20(%arg0: i32) -> (i32, i32) {
    %c0_i32 = arith.constant 0 : i32
    %c0_i32_0 = arith.constant 0 : i32
    %c0_i32_1 = arith.constant 0 : i32
    return %c0_i32, %c0_i32_0 : i32, i32
  }
  func.func @transform_21(%arg0: i32) -> (i32, i32) {
    %c0_i32 = arith.constant 0 : i32
    %c0_i32_0 = arith.constant 0 : i32
    %c0_i32_1 = arith.constant 0 : i32
    return %c0_i32, %c0_i32_0 : i32, i32
  }
  func.func @transform_22(%arg0: i32) -> (i32, i32) {
    %c0_i32 = arith.constant 0 : i32
    %c0_i32_0 = arith.constant 0 : i32
    %c0_i32_1 = arith.constant 0 : i32
    return %c0_i32, %c0_i32_0 : i32, i32
  }
  func.func @transform_23(%arg0: i32) -> (i32, i32) {
    %c0_i32 = arith.constant 0 : i32
    %c0_i32_0 = arith.constant 0 : i32
    return %arg0, %c0_i32 : i32, i32
  }
  func.func @transform_24(%arg0: i32) -> (i32, i32) {
    %c0_i32 = arith.constant 0 : i32
    %c0_i32_0 = arith.constant 0 : i32
    return %arg0, %c0_i32 : i32, i32
  }
}

</mosaic_0001>

<sc_bundles>
// kernel: kernel.4.cloned.1.call-start
scs
__scs_entry_jumppad:
0x0: {  	(pc) =	sbr.rel $0x88, $3  }
0x1: {  	(tag) =	ssettag $0x0;
	lr =	simm.s32 $0x1  }
0x2: {  	[smem:$0x3F7D] =	sst lr;
	_ =	strace $0xD0000000  }
0x3: {  	_ = 	snop  }
0x4: {  	_ = 	snop  }
0x5: {  	_ = 	snop  }
0x6: {  	_ = 	snop  }
0x7: {  	_ = 	snop  }
__scs_overlays_trampoline_lowered:
0x8: {  	[smem:$0x3F8C] =	sst s0  }
0x9: {  	[smem:$0x3F8D] =	sst s1  }
0xa: {  	[smem:$0x3F8E] =	sst s2  }
0xb: {  	[smem:$0x3F8F] =	sst s3  }
0xc: {  	[smem:$0x3F90] =	sst s4  }
0xd: {  	[smem:$0x3F91] =	sst s5  }
0xe: {  	[smem:$0x3F92] =	sst s6  }
0xf: {  	[smem:$0x3F93] =	sst s7  }
0x10: {  	[smem:$0x3F94] =	sst s8  }
0x11: {  	[smem:$0x3F95] =	sst s9;
	s0 =	simm.s32 @!p0 $0x0  }
0x12: {  	s1 =	sld [smem:$0x3F7B];
	s0 =	simm.s32 @p0 $0x1  }
0x13: {  	[smem:$0x3F96] =	sst s0;
	s0 =	simm.s32 @!p1 $0x0  }
0x14: {  	s2 =	sld [smem:$0x3F7A];
	s0 =	simm.s32 @p1 $0x1  }
0x15: {  	[smem:$0x3F97] =	sst s0;
	s0 =	simm.s32 @!p2 $0x0  }
0x16: {  	s3 =	sld [smem:$0x3FDB];
	s0 =	simm.s32 @p2 $0x1  }
0x17: {  	s4 =	simm.s32 $0x1BF5;
	[smem:$0x3F99] =	sst s0  }
0x18: {  	s0 =	sld [smem:$0x3F7C];
	_ =	swait.ge [sflag:s4], $0x0  }
0x19: {  	s7 =	sld [smem:$0x3F7D]  }
0x1a: {  	s8 =	sadd.s32 $0xFFFFE003, lr  }
0x1b: {  	s9 =	sadd.s32 $0xFFFFFEF7, lr;
	s5 =	simm.s32 $0xFFFFFFFF;
	p2 =	slt.u32 s8, $0xFFFFF086  }
0x1c: {  	p1 =	slt.u32 s9, $0xF7A;
	s5 =	simm.s32 @!p2 $0x0  }
0x1d: {  	s5 =	simm.s32 @p1 $0x1;
	p0 =	seq.s32 s7, s2  }
0x1e: {  	s7 =	smul.u32 @!p0 $0xF7A, s2;
	p2 =	seq.s32 @!p0 s5, $0x0  }
0x1f: {  	s9 =	smul.u32 $0xF7A, s1;
	s8 =	simm.s32 @!p0 $0x1BF5;
	p2 =	por !p2, p0  }
0x20: {  	[sflag:s8] =	ssyncset.s32 @!p0 $0xFFFFF086;
	s6 =	sadd.s32 @!p0 s3, s7;
	s7 =	simm.s32 @!p0 $0x108  }
0x21: {  	s3 =	sadd.s32 s3, s9;
	s6 =	sadd.s32 @!p0 $0x88, s6;
	s7 =	simm.s32 @p2 $0x1082  }
0x22: {  	[simem:s7], [sflag:s8] =	dma.local @!p0 [hbm:s6], $0xF7A  }
0x23: {  	s9 =	sor.u32 $0xD0000000, s2;
	s6 =	simm.s32 $0x108;
	_ =	swait.ge @!p0 [sflag:s8], $0x0  }
0x24: {  	s3 =	sadd.s32 $0x88, s3;
	s6 =	simm.s32 @!p1 $0x1082;
	[sflag:s4] =	ssyncset.s32 $0xFFFFF086  }
0x25: {  	[simem:s6], [sflag:s4] =	dma.local [hbm:s3], $0xF7A  }
0x26: {  	[smem:$0x3F7D] =	sst s1;
	(tag) =	ssettag s2;
	_ =	strace s9  }
0x27: {  	s1 =	sld [smem:$0x3F8D]  }
0x28: {  	s2 =	sld [smem:$0x3F8E]  }
0x29: {  	s4 =	sld [smem:$0x3F90]  }
0x2a: {  	p0 =	seq.s32 s5, $0x0;
	s5 =	sld [smem:$0x3F91]  }
0x2b: {  	s6 =	sld [smem:$0x3F92]  }
0x2c: {  	s7 =	sld [smem:$0x3F93]  }
0x2d: {  	s3 =	simm.s32 $0x108;
	s8 =	sld [smem:$0x3F94]  }
0x2e: {  	s3 =	simm.s32 @!p0 $0x1082;
	s9 =	sld [smem:$0x3F95]  }
0x2f: {  	lr =	sadd.s32 s0, s3;
	s0 =	sld [smem:$0x3F8C]  }
0x30: {  	s3 =	sld [smem:$0x3F8F]  }
0x31: {  	[smem:$0x3F98] =	sst s10  }
0x32: {  	s10 =	sld [smem:$0x3F96];
	_ =	sdelay $0x3  }
0x33: {  	p0 =	seq.s32 s10, $0x1;
	s10 =	sld [smem:$0x3F98];
	_ =	sdelay $0x3  }
0x34: {  	[smem:$0x3F98] =	sst s10  }
0x35: {  	s10 =	sld [smem:$0x3F97];
	_ =	sdelay $0x3  }
0x36: {  	p1 =	seq.s32 s10, $0x1;
	s10 =	sld [smem:$0x3F98];
	_ =	sdelay $0x3  }
0x37: {  	[smem:$0x3F98] =	sst s10  }
0x38: {  	s10 =	sld [smem:$0x3F99]  }
0x39: {  	_ = 	snop;
	(pc) =	sbr.ind lr, $3  }
0x3a: {  	_ = 	snop  }
0x3b: {  	_ = 	snop  }
0x3c: {  	p2 =	seq.s32 s10, $0x1;
	s10 =	sld [smem:$0x3F98]  }
0x3d: {  	_ =	shalt  }
0x3e: {  	_ =	shalt  }
0x3f: {  	_ =	shalt  }
0x40: {  	_ =	shalt  }
0x41: {  	_ =	shalt  }
0x42: {  	_ =	shalt  }
0x43: {  	_ =	shalt  }
0x44: {  	_ =	shalt  }
0x45: {  	_ =	shalt  }
0x46: {  	_ =	shalt  }
0x47: {  	_ =	shalt  }
0x48: {  	_ =	shalt  }
0x49: {  	_ =	shalt  }
0x4a: {  	_ =	shalt  }
0x4b: {  	_ =	shalt  }
0x4c: {  	_ =	shalt  }
0x4d: {  	_ =	shalt  }
0x4e: {  	_ =	shalt  }
0x4f: {  	_ =	shalt  }
0x50: {  	_ =	shalt  }
0x51: {  	_ =	shalt  }
0x52: {  	_ =	shalt  }
0x53: {  	_ =	shalt  }
0x54: {  	_ =	shalt  }
0x55: {  	_ =	shalt  }
0x56: {  	_ =	shalt  }
0x57: {  	_ =	shalt  }
0x58: {  	_ =	shalt  }
0x59: {  	_ =	shalt  }
0x5a: {  	_ =	shalt  }
0x5b: {  	_ =	shalt  }
0x5c: {  	_ =	shalt  }
0x5d: {  	_ =	shalt  }
0x5e: {  	_ =	shalt  }
0x5f: {  	_ =	shalt  }
0x60: {  	_ =	shalt  }
0x61: {  	_ =	shalt  }
0x62: {  	_ =	shalt  }
0x63: {  	_ =	shalt  }
0x64: {  	_ =	shalt  }
0x65: {  	_ =	shalt  }
0x66: {  	_ =	shalt  }
0x67: {  	_ =	shalt  }
0x68: {  	_ =	shalt  }
0x69: {  	_ =	shalt  }
0x6a: {  	_ =	shalt  }
0x6b: {  	_ =	shalt  }
0x6c: {  	_ =	shalt  }
0x6d: {  	_ =	shalt  }
0x6e: {  	_ =	shalt  }
0x6f: {  	_ =	shalt  }
0x70: {  	_ =	shalt  }
0x71: {  	_ =	shalt  }
0x72: {  	_ =	shalt  }
0x73: {  	_ =	shalt  }
0x74: {  	_ =	shalt  }
0x75: {  	_ =	shalt  }
0x76: {  	_ =	shalt  }
0x77: {  	_ =	shalt  }
0x78: {  	_ =	shalt  }
0x79: {  	_ =	shalt  }
0x7a: {  	_ =	shalt  }
0x7b: {  	_ =	shalt  }
0x7c: {  	_ =	shalt  }
0x7d: {  	_ =	shalt  }
0x7e: {  	_ =	shalt  }
0x7f: {  	_ =	shalt  }
0x80: {  	_ =	shalt  }
0x81: {  	_ =	shalt  }
0x82: {  	_ =	shalt  }
0x83: {  	_ =	shalt  }
0x84: {  	_ =	shalt  }
0x85: {  	_ =	shalt  }
0x86: {  	_ =	shalt  }
0x87: {  	_ =	shalt  }
.Lfunc_end0:
.L_simem_size_0:
called_computation_lowered:
.L_overlay_start_0:
0x88: {  	s2 =	sld [smem:$0x3FD9]  }
0x89: {  	s3 =	sld [smem:$0x3FFE];
	_ =	sdelay $0x1  }
0x8a: {  	s1 =	srdreg.scid  }
0x8b: {  	s0 =	sand.u32 $0x1, s1  }
0x8c: {  	s14 =	sshll.u32 s0, $0xA;
	s2 =	sadd.s32 s3, s2  }
0x8d: {  	s2 =	sadd.s32 s2, s14  }
0x8e: {  	[smem:$0x3FA4] =	sst s2  }
0x8f: {  	_ = 	snop  }
0x90: {  	s2 =	sld [smem:$0x3FD0];
	_ =	sdelay $0x2  }
0x91: {  	s15 =	simm.s32 $0xA;
	s4 =	simm.s32 $0x10  }
0x92: {  	[smem:s4], [sflag:s15] =	dma.local [hbm:s2], $0x1  }
0x93: {  	_ =	swait.eq [sflag:s15], $0x1  }
0x94: {  	[sflag:s15] =	ssyncset.done $0x0  }
0x95: {  	s16 =	sld [smem:$0x10];
	[sflag:s15] =	ssyncadd.s32 $0xFFFFFFFF  }
0x96: {  	s17 =	sld [smem:$0x11];
	(tm) =	ssettm $0x1  }
0x97: {  	s18 =	sld [smem:$0x3FFB];
	_ =	sdelay $0x3  }
0x98: {  	_ =	strace s18  }
0x99: {  	s4 =	sld [smem:$0x3FFC];
	_ =	sdelay $0x3  }
0x9a: {  	_ =	strace s4  }
0x9b: {  	s4 =	sld [smem:$0x3FFD];
	_ =	sdelay $0x3  }
0x9c: {  	_ =	strace s4  }
0x9d: {  	_ =	strace $0x8FFFFFFF  }
0x9e: {  	s19 =	sld [smem:$0x3FDB];
	_ =	sdelay $0x1  }
0x9f: {  	s5 =	simm.s32 $_scs_section_size  }
0xa0: {  	s6 =	simm.s32 $_size__tile_overlayer_lowered;
	s7 =	simm.s32 $_tile_overlayer_lowered  }
0xa1: {  	s22 =	simm.s32 $0x1BFF;
	s21 =	sshll.u32 s7, $0x1;
	s4 =	sadd.s32 s5, s19  }
0xa2: {  	s8 =	simm.s32 $0x0;
	s20 =	sshll.u32 s6, $0x1;
	s6 =	sadd.s32 s21, s4  }
0xa3: {  	[timem:s8], [sflag:s22] =	dma.local [hbm:s6], s20  }
0xa4: {  	_ =	swait.ge [sflag:s22], s20  }
0xa5: {  	s5 =	ssub.s32 $0x0, s20;
	[sflag:s22] =	ssyncset.done $0x0  }
0xa6: {  	[sflag:s22] =	ssyncadd.s32 s5;
	_ =	sdelay $0x1  }
0xa7: {  	s23 =	simm.s32 $0x1B8B  }
0xa8: {  	_ =	swait.ge [sflag:s23], $0x1  }
0xa9: {  	[sflag:s23] =	ssyncset.done $0x0  }
0xaa: {  	s25 =	simm.s32 $0x1B8E;
	s24 =	sld [smem:$0x3FFE];
	[sflag:s23] =	ssyncadd.s32 $0xFFFFFFFF  }
0xab: {  	s26 =	simm.s32 $execute0_lowered;
	[smem:$0x3FD2] =	sst s25  }
0xac: {  	s6 =	sshll.u32 s26, $0x1;
	_ =	strace $0x80000046;
	[dreg:$0x1] =	wrdreg $0xFFFFFFFF  }
0xad: {  	s28 =	simm.s32 $_size_execute0_lowered;
	s4 =	sadd.s32 s4, s6;
	[dreg:$0x0] =	wrdreg $0x0  }
0xae: {  	s6 =	sshll.u32 s28, $0x1;
	[dreg:$0x2] =	wrdreg s4  }
0xaf: {  	[dreg:$0x3] =	wrdreg s6  }
0xb0: {  	[dreg:$0x4] =	wrdreg $0xC0  }
0xb1: {  	_ =	task [dreg:s8], $0x5FFFF  }
0xb2: {  	[dreg:$0x1] =	wrdreg $0xFFFFFFFF  }
0xb3: {  	[dreg:$0x0] =	wrdreg $0x60  }
0xb4: {  	[dreg:$0x2] =	wrdreg s16  }
0xb5: {  	[dreg:$0x3] =	wrdreg s17  }
0xb6: {  	[dreg:$0x4] =	wrdreg s24  }
0xb7: {  	[dreg:$0x5] =	wrdreg $0x9  }
0xb8: {  	_ =	task.clear_ibuf [dreg:s8], $0x6FFFF;
	_ =	strace $0x90000046  }
0xb9: {  	s29 =	simm.s32 $0x9;
	_ =	strace $0x80000048  }
0xba: {  	_ =	swait.ge [sflag:s29], $0x1  }
0xbb: {  	[sflag:s29] =	ssyncadd.s32 $0xFFFFFFFF  }
0xbc: {  	_ =	strace $0x90000048  }
0xbd: {  	_ =	sfence  }
0xbe: {  	s30 =	sld [smem:$0x0];
	_ =	sdelay $0x2  }
0xbf: {  	s31 =	sshll.u32 s1, $0xD;
	s1 =	sshrl.u32 s1, $0x2  }
0xc0: {  	s3 =	sand.u32 $0x4000, s31;
	s1 =	sadd.s32 s1, s30  }
0xc1: {  	s0 =	sor.u32 s3, s0;
	s1 =	sshll.u32 s1, $0x11  }
0xc2: {  	s0 =	sor.u32 s1, s0  }
0xc3: {  	s0 =	sadd.s32 $0x8F2B, s0  }
0xc4: {  	[sflag:s0] =	ssyncadd.remote.s32 $0x1  }
0xc5: {  	_ =	sfence.sel $0xFFFF  }
0xc6: {  	[dreg:$0x0] =	wrdreg $0xFFFFFFFF;
	(pc) =	sbr.abs _section_cstart, $3  }
0xc7: {  	[dreg:$0x1] =	wrdreg $0xFFFFFFFF  }
0xc8: {  	_ =	task.clear_ibuf [dreg:s8], $0x2FFFF;
	_ =	strace $0x9FFFFFFF  }
0xc9: {  	(tm) =	ssettm $0x7FFFFFFF  }
tec
execute0_lowered:
.L_overlay_start_1:
0x0: {  	(tag) =	ssettag $0x1  }
0x1: {  	s1 =	rddreg [dreg:$0x0]  }
0x2: {  	s6 =	rddreg [dreg:$0x1]  }
0x3: {  	s4 =	rddreg [dreg:$0x2]  }
0x4: {  	s0 =	rddreg [dreg:$0x3];
	s3 =	simm.s32 $0x0;
	s5 =	srdreg.scid  }
0x5: {  	s2 =	stileid.u32;
	s11 =	simm.s32 $0x880;
	s12 =	simm.s32 $0x1080  }
0x6: {  	s13 =	simm.s32 $0x1880;
	s14 =	simm.s32 $0x2080;
	s15 =	simm.s32 $0x2880  }
0x7: {  	s16 =	simm.s32 $0x3080;
	s17 =	simm.s32 $0x3880;
	s18 =	simm.s32 $0x4080  }
0x8: {  	s19 =	simm.s32 $0x4880;
	s20 =	simm.s32 $0x5080;
	s21 =	simm.s32 $0x5880  }
0x9: {  	s22 =	simm.s32 $0x6080;
	s23 =	simm.s32 $0x6880;
	s24 =	simm.s32 $0x7080  }
0xa: {  	s25 =	simm.s32 $0x7880;
	s26 =	simm.s32 $0x1;
	s5 =	sand.u32 $0x1, s5  }
0xb: {  	[smem:$0x7FF] =	sst s3;
	s8 =	sshll.u32 s2, $0x9;
	s7 =	ssub.s32 $0x2, s5  }
0xc: {  	s28 =	sadd.s32 $0x5400, s4;
	s5 =	sshll.u32 s5, $0x8;
	s9 =	sshrl.u32 s7, $0x1  }
0xd: {  	_ =	strace $0x80000047;
	s5 =	sor.u32 s5, s8;
	s9 =	ssub.s32 s7, s9  }
0xe: {  	s29 =	sshrl.u32 s5, $0x3;
	s30 =	sshll.u32 s5, $0x5;
	s10 =	sor.u32 $0x80, s5  }
0xf: {  	v2 =	vlaneseq.u32;
	s4 =	sadd.s32 s6, s29;
	s5 =	sadd.s32 s28, s30;
	s31 =	sshrl.u32 s10, $0x3  }
0x10: {  	vm0 =	vmmov $0xffff;
	v1 =	vshrl.u32 v2, $0x3;
	s10 =	sshll.u32 s10, $0x5;
	s8 =	smax.u32 s9, $0x1;
	s9 =	simm.s32 $0x2  }
0x11: {  	v0 =	vand.u32 $0x7, v2;
	v2 =	vor.u32 $0x8, v2;
	v1 =	vmul.u32 $0x8, v1;
	s6 =	sadd.s32 s6, s31;
	s7 =	sadd.s32 s28, s10;
	s10 =	simm.s32 $0x80  }
.LBB2_1:
0x12: {  	[tilespmem:s3], [sflag:$0x2] =	stream.linear.gather [hbm4b:s4+s3], $0x80, $0x38;
	[tilespmem:$0x8080] =	vst v63  }
0x13: {  	_ =	swait.ge [sflag:s9], $0x80  }
0x14: {  	[sflag:s9] =	ssyncset.done $0x0  }
0x15: {  	[sflag:s9] =	ssyncadd.s32 $0xFFFFFF80  }
0x16: {  	v3 =	vld [tilespmem:$0x0];
	_ =	sdelay $0x4  }
0x17: {  	v4 =	vshll.u32 v3, $0x1  }
0x18: {  	v3 =	vand.u32 $0x7, v3;
	v4 =	vand.u32 $0xFFFFFFF0, v4  }
0x19: {  	v3 =	vor.u32 v3, v4  }
0x1a: {  	v4 =	vperm.xlane v3, v0;
	_ =	sdelay $0x1  }
0x1b: {  	v3 =	vperm.xlane v3, v2;
	v4 =	vadd.s32 v1, v4;
	_ =	sdelay $0x1  }
0x1c: {  	v3 =	vadd.s32 v1, v3;
	_ =	sdelay $0x2  }
0x1d: {  	[tilespmem:s10], [sflag:$0x1] =	stream.indirect_vreg.gather [hbm4b:s1+s3], $0x80, v4, vm0, $0xb8;
	[tilespmem:$0x8080] =	vst v63  }
0x1e: {  	_ = 	snop  }
0x1f: {  	[tilespmem:s11], [sflag:$0x1] =	stream.indirect_vreg.gather [hbm4b:s1+s3], $0x80, v3, vm0, $0xb8;
	[tilespmem:$0x8080] =	vst v63  }
0x20: {  	v3 =	vld [tilespmem:$0x10];
	_ =	sdelay $0x4  }
0x21: {  	v49 =	vshll.u32 v3, $0x1  }
0x22: {  	v3 =	vand.u32 $0x7, v3;
	v4 =	vand.u32 $0xFFFFFFF0, v49  }
0x23: {  	v3 =	vor.u32 v3, v4  }
0x24: {  	v4 =	vperm.xlane v3, v0;
	_ =	sdelay $0x1  }
0x25: {  	v3 =	vperm.xlane v3, v2;
	v4 =	vadd.s32 v1, v4;
	_ =	sdelay $0x1  }
0x26: {  	v3 =	vadd.s32 v1, v3;
	_ =	sdelay $0x2  }
0x27: {  	[tilespmem:s12], [sflag:$0x1] =	stream.indirect_vreg.gather [hbm4b:s1+s3], $0x80, v4, vm0, $0xb8;
	[tilespmem:$0x8080] =	vst v63  }
0x28: {  	_ = 	snop  }
0x29: {  	[tilespmem:s13], [sflag:$0x1] =	stream.indirect_vreg.gather [hbm4b:s1+s3], $0x80, v3, vm0, $0xb8;
	[tilespmem:$0x8080] =	vst v63  }
0x2a: {  	v3 =	vld [tilespmem:$0x20];
	_ =	sdelay $0x4  }
0x2b: {  	v50 =	vshll.u32 v3, $0x1  }
0x2c: {  	v3 =	vand.u32 $0x7, v3;
	v4 =	vand.u32 $0xFFFFFFF0, v50  }
0x2d: {  	v3 =	vor.u32 v3, v4  }
0x2e: {  	v4 =	vperm.xlane v3, v0;
	_ =	sdelay $0x1  }
0x2f: {  	v3 =	vperm.xlane v3, v2;
	v4 =	vadd.s32 v1, v4;
	_ =	sdelay $0x1  }
0x30: {  	v3 =	vadd.s32 v1, v3;
	_ =	sdelay $0x2  }
0x31: {  	[tilespmem:s14], [sflag:$0x1] =	stream.indirect_vreg.gather [hbm4b:s1+s3], $0x80, v4, vm0, $0xb8;
	[tilespmem:$0x8080] =	vst v63  }
0x32: {  	_ = 	snop  }
0x33: {  	[tilespmem:s15], [sflag:$0x1] =	stream.indirect_vreg.gather [hbm4b:s1+s3], $0x80, v3, vm0, $0xb8;
	[tilespmem:$0x8080] =	vst v63  }
0x34: {  	v3 =	vld [tilespmem:$0x30];
	_ =	sdelay $0x4  }
0x35: {  	v51 =	vshll.u32 v3, $0x1  }
0x36: {  	v3 =	vand.u32 $0x7, v3;
	v4 =	vand.u32 $0xFFFFFFF0, v51  }
0x37: {  	v3 =	vor.u32 v3, v4  }
0x38: {  	v4 =	vperm.xlane v3, v0;
	_ =	sdelay $0x1  }
0x39: {  	v3 =	vperm.xlane v3, v2;
	v4 =	vadd.s32 v1, v4;
	_ =	sdelay $0x1  }
0x3a: {  	v3 =	vadd.s32 v1, v3;
	_ =	sdelay $0x2  }
0x3b: {  	[tilespmem:s16], [sflag:$0x1] =	stream.indirect_vreg.gather [hbm4b:s1+s3], $0x80, v4, vm0, $0xb8;
	[tilespmem:$0x8080] =	vst v63  }
0x3c: {  	_ = 	snop  }
0x3d: {  	[tilespmem:s17], [sflag:$0x1] =	stream.indirect_vreg.gather [hbm4b:s1+s3], $0x80, v3, vm0, $0xb8;
	[tilespmem:$0x8080] =	vst v63  }
0x3e: {  	v3 =	vld [tilespmem:$0x40];
	_ =	sdelay $0x4  }
0x3f: {  	v52 =	vshll.u32 v3, $0x1  }
0x40: {  	v3 =	vand.u32 $0x7, v3;
	v4 =	vand.u32 $0xFFFFFFF0, v52  }
0x41: {  	v3 =	vor.u32 v3, v4  }
0x42: {  	v4 =	vperm.xlane v3, v0;
	_ =	sdelay $0x1  }
0x43: {  	v3 =	vperm.xlane v3, v2;
	v4 =	vadd.s32 v1, v4;
	_ =	sdelay $0x1  }
0x44: {  	v3 =	vadd.s32 v1, v3;
	_ =	sdelay $0x2  }
0x45: {  	[tilespmem:s18], [sflag:$0x1] =	stream.indirect_vreg.gather [hbm4b:s1+s3], $0x80, v4, vm0, $0xb8;
	[tilespmem:$0x8080] =	vst v63  }
0x46: {  	_ = 	snop  }
0x47: {  	[tilespmem:s19], [sflag:$0x1] =	stream.indirect_vreg.gather [hbm4b:s1+s3], $0x80, v3, vm0, $0xb8;
	[tilespmem:$0x8080] =	vst v63  }
0x48: {  	v3 =	vld [tilespmem:$0x50];
	_ =	sdelay $0x4  }
0x49: {  	v53 =	vshll.u32 v3, $0x1  }
0x4a: {  	v3 =	vand.u32 $0x7, v3;
	v4 =	vand.u32 $0xFFFFFFF0, v53  }
0x4b: {  	v3 =	vor.u32 v3, v4  }
0x4c: {  	v4 =	vperm.xlane v3, v0;
	_ =	sdelay $0x1  }
0x4d: {  	v3 =	vperm.xlane v3, v2;
	v4 =	vadd.s32 v1, v4;
	_ =	sdelay $0x1  }
0x4e: {  	v3 =	vadd.s32 v1, v3;
	_ =	sdelay $0x2  }
0x4f: {  	[tilespmem:s20], [sflag:$0x1] =	stream.indirect_vreg.gather [hbm4b:s1+s3], $0x80, v4, vm0, $0xb8;
	[tilespmem:$0x8080] =	vst v63  }
0x50: {  	_ = 	snop  }
0x51: {  	[tilespmem:s21], [sflag:$0x1] =	stream.indirect_vreg.gather [hbm4b:s1+s3], $0x80, v3, vm0, $0xb8;
	[tilespmem:$0x8080] =	vst v63  }
0x52: {  	v3 =	vld [tilespmem:$0x60];
	_ =	sdelay $0x4  }
0x53: {  	v54 =	vshll.u32 v3, $0x1  }
0x54: {  	v3 =	vand.u32 $0x7, v3;
	v4 =	vand.u32 $0xFFFFFFF0, v54  }
0x55: {  	v3 =	vor.u32 v3, v4  }
0x56: {  	v4 =	vperm.xlane v3, v0;
	_ =	sdelay $0x1  }
0x57: {  	v3 =	vperm.xlane v3, v2;
	v4 =	vadd.s32 v1, v4;
	_ =	sdelay $0x1  }
0x58: {  	v3 =	vadd.s32 v1, v3;
	_ =	sdelay $0x2  }
0x59: {  	[tilespmem:s22], [sflag:$0x1] =	stream.indirect_vreg.gather [hbm4b:s1+s3], $0x80, v4, vm0, $0xb8;
	[tilespmem:$0x8080] =	vst v63  }
0x5a: {  	_ = 	snop  }
0x5b: {  	[tilespmem:s23], [sflag:$0x1] =	stream.indirect_vreg.gather [hbm4b:s1+s3], $0x80, v3, vm0, $0xb8;
	[tilespmem:$0x8080] =	vst v63  }
0x5c: {  	v3 =	vld [tilespmem:$0x70];
	_ =	sdelay $0x4  }
0x5d: {  	v55 =	vshll.u32 v3, $0x1  }
0x5e: {  	v3 =	vand.u32 $0x7, v3;
	v4 =	vand.u32 $0xFFFFFFF0, v55  }
0x5f: {  	v3 =	vor.u32 v3, v4  }
0x60: {  	v4 =	vperm.xlane v3, v0;
	_ =	sdelay $0x1  }
0x61: {  	v3 =	vperm.xlane v3, v2;
	v4 =	vadd.s32 v1, v4;
	_ =	sdelay $0x1  }
0x62: {  	v3 =	vadd.s32 v1, v3;
	_ =	sdelay $0x2  }
0x63: {  	[tilespmem:s24], [sflag:$0x1] =	stream.indirect_vreg.gather [hbm4b:s1+s3], $0x80, v4, vm0, $0xb8;
	[tilespmem:$0x8080] =	vst v63  }
0x64: {  	_ = 	snop  }
0x65: {  	[tilespmem:s25], [sflag:$0x1] =	stream.indirect_vreg.gather [hbm4b:s1+s3], $0x80, v3, vm0, $0xb8;
	[tilespmem:$0x8080] =	vst v63  }
0x66: {  	_ =	swait.ge [sflag:s26], $0x8000  }
0x67: {  	[sflag:s26] =	ssyncset.done $0x0  }
0x68: {  	[sflag:s26] =	ssyncadd.s32 $0xFFFF8000  }
0x69: {  	[hbm4b:s5+s3] =	stream.linear.scatter [tilespmem:s10], [sflag:$0x2], $0x8000, $0x38;
	[tilespmem:$0x8080] =	vst v63  }
0x6a: {  	_ =	swait.ge [sflag:s9], $0x8000  }
0x6b: {  	[sflag:s9] =	ssyncset.done $0x0  }
0x6c: {  	[sflag:s9] =	ssyncadd.s32 $0xFFFF8000  }
0x6d: {  	[tilespmem:s3], [sflag:$0x2] =	stream.linear.gather [hbm4b:s6+s3], $0x80, $0x38;
	[tilespmem:$0x8080] =	vst v63  }
0x6e: {  	_ =	swait.ge [sflag:s9], $0x80  }
0x6f: {  	[sflag:s9] =	ssyncset.done $0x0  }
0x70: {  	[sflag:s9] =	ssyncadd.s32 $0xFFFFFF80  }
0x71: {  	v3 =	vld [tilespmem:$0x0];
	_ =	sdelay $0x4  }
0x72: {  	v56 =	vshll.u32 v3, $0x1  }
0x73: {  	v3 =	vand.u32 $0x7, v3;
	v4 =	vand.u32 $0xFFFFFFF0, v56  }
0x74: {  	v3 =	vor.u32 v3, v4  }
0x75: {  	v4 =	vperm.xlane v3, v0;
	_ =	sdelay $0x1  }
0x76: {  	v3 =	vperm.xlane v3, v2;
	v4 =	vadd.s32 v1, v4;
	_ =	sdelay $0x1  }
0x77: {  	v3 =	vadd.s32 v1, v3;
	_ =	sdelay $0x2  }
0x78: {  	[tilespmem:s10], [sflag:$0x1] =	stream.indirect_vreg.gather [hbm4b:s1+s3], $0x80, v4, vm0, $0xb8;
	[tilespmem:$0x8080] =	vst v63  }
0x79: {  	_ = 	snop  }
0x7a: {  	[tilespmem:s11], [sflag:$0x1] =	stream.indirect_vreg.gather [hbm4b:s1+s3], $0x80, v3, vm0, $0xb8;
	[tilespmem:$0x8080] =	vst v63  }
0x7b: {  	v3 =	vld [tilespmem:$0x10];
	_ =	sdelay $0x4  }
0x7c: {  	v57 =	vshll.u32 v3, $0x1  }
0x7d: {  	v3 =	vand.u32 $0x7, v3;
	v4 =	vand.u32 $0xFFFFFFF0, v57  }
0x7e: {  	v3 =	vor.u32 v3, v4  }
0x7f: {  	v4 =	vperm.xlane v3, v0;
	_ =	sdelay $0x1  }
0x80: {  	v3 =	vperm.xlane v3, v2;
	v4 =	vadd.s32 v1, v4;
	_ =	sdelay $0x1  }
0x81: {  	v3 =	vadd.s32 v1, v3;
	_ =	sdelay $0x2  }
0x82: {  	[tilespmem:s12], [sflag:$0x1] =	stream.indirect_vreg.gather [hbm4b:s1+s3], $0x80, v4, vm0, $0xb8;
	[tilespmem:$0x8080] =	vst v63  }
0x83: {  	_ = 	snop  }
0x84: {  	[tilespmem:s13], [sflag:$0x1] =	stream.indirect_vreg.gather [hbm4b:s1+s3], $0x80, v3, vm0, $0xb8;
	[tilespmem:$0x8080] =	vst v63  }
0x85: {  	v3 =	vld [tilespmem:$0x20];
	_ =	sdelay $0x4  }
0x86: {  	v58 =	vshll.u32 v3, $0x1  }
0x87: {  	v3 =	vand.u32 $0x7, v3;
	v4 =	vand.u32 $0xFFFFFFF0, v58  }
0x88: {  	v3 =	vor.u32 v3, v4  }
0x89: {  	v4 =	vperm.xlane v3, v0;
	_ =	sdelay $0x1  }
0x8a: {  	v3 =	vperm.xlane v3, v2;
	v4 =	vadd.s32 v1, v4;
	_ =	sdelay $0x1  }
0x8b: {  	v3 =	vadd.s32 v1, v3;
	_ =	sdelay $0x2  }
0x8c: {  	[tilespmem:s14], [sflag:$0x1] =	stream.indirect_vreg.gather [hbm4b:s1+s3], $0x80, v4, vm0, $0xb8;
	[tilespmem:$0x8080] =	vst v63  }
0x8d: {  	_ = 	snop  }
0x8e: {  	[tilespmem:s15], [sflag:$0x1] =	stream.indirect_vreg.gather [hbm4b:s1+s3], $0x80, v3, vm0, $0xb8;
	[tilespmem:$0x8080] =	vst v63  }
0x8f: {  	v3 =	vld [tilespmem:$0x30];
	_ =	sdelay $0x4  }
0x90: {  	v59 =	vshll.u32 v3, $0x1  }
0x91: {  	v3 =	vand.u32 $0x7, v3;
	v4 =	vand.u32 $0xFFFFFFF0, v59  }
0x92: {  	v3 =	vor.u32 v3, v4  }
0x93: {  	v4 =	vperm.xlane v3, v0;
	_ =	sdelay $0x1  }
0x94: {  	v3 =	vperm.xlane v3, v2;
	v4 =	vadd.s32 v1, v4;
	_ =	sdelay $0x1  }
0x95: {  	v3 =	vadd.s32 v1, v3;
	_ =	sdelay $0x2  }
0x96: {  	[tilespmem:s16], [sflag:$0x1] =	stream.indirect_vreg.gather [hbm4b:s1+s3], $0x80, v4, vm0, $0xb8;
	[tilespmem:$0x8080] =	vst v63  }
0x97: {  	_ = 	snop  }
0x98: {  	[tilespmem:s17], [sflag:$0x1] =	stream.indirect_vreg.gather [hbm4b:s1+s3], $0x80, v3, vm0, $0xb8;
	[tilespmem:$0x8080] =	vst v63  }
0x99: {  	v3 =	vld [tilespmem:$0x40];
	_ =	sdelay $0x4  }
0x9a: {  	v60 =	vshll.u32 v3, $0x1  }
0x9b: {  	v3 =	vand.u32 $0x7, v3;
	v4 =	vand.u32 $0xFFFFFFF0, v60  }
0x9c: {  	v3 =	vor.u32 v3, v4  }
0x9d: {  	v4 =	vperm.xlane v3, v0;
	_ =	sdelay $0x1  }
0x9e: {  	v3 =	vperm.xlane v3, v2;
	v4 =	vadd.s32 v1, v4;
	_ =	sdelay $0x1  }
0x9f: {  	v3 =	vadd.s32 v1, v3;
	_ =	sdelay $0x2  }
0xa0: {  	[tilespmem:s18], [sflag:$0x1] =	stream.indirect_vreg.gather [hbm4b:s1+s3], $0x80, v4, vm0, $0xb8;
	[tilespmem:$0x8080] =	vst v63  }
0xa1: {  	_ = 	snop  }
0xa2: {  	[tilespmem:s19], [sflag:$0x1] =	stream.indirect_vreg.gather [hbm4b:s1+s3], $0x80, v3, vm0, $0xb8;
	[tilespmem:$0x8080] =	vst v63  }
0xa3: {  	v3 =	vld [tilespmem:$0x50];
	_ =	sdelay $0x4  }
0xa4: {  	v61 =	vshll.u32 v3, $0x1  }
0xa5: {  	v3 =	vand.u32 $0x7, v3;
	v4 =	vand.u32 $0xFFFFFFF0, v61  }
0xa6: {  	v3 =	vor.u32 v3, v4  }
0xa7: {  	v4 =	vperm.xlane v3, v0;
	_ =	sdelay $0x1  }
0xa8: {  	v3 =	vperm.xlane v3, v2;
	v4 =	vadd.s32 v1, v4;
	_ =	sdelay $0x1  }
0xa9: {  	v3 =	vadd.s32 v1, v3;
	_ =	sdelay $0x2  }
0xaa: {  	[tilespmem:s20], [sflag:$0x1] =	stream.indirect_vreg.gather [hbm4b:s1+s3], $0x80, v4, vm0, $0xb8;
	[tilespmem:$0x8080] =	vst v63  }
0xab: {  	_ = 	snop  }
0xac: {  	[tilespmem:s21], [sflag:$0x1] =	stream.indirect_vreg.gather [hbm4b:s1+s3], $0x80, v3, vm0, $0xb8;
	[tilespmem:$0x8080] =	vst v63  }
0xad: {  	v3 =	vld [tilespmem:$0x60];
	_ =	sdelay $0x4  }
0xae: {  	v62 =	vshll.u32 v3, $0x1  }
0xaf: {  	v3 =	vand.u32 $0x7, v3;
	v4 =	vand.u32 $0xFFFFFFF0, v62  }
0xb0: {  	v3 =	vor.u32 v3, v4  }
0xb1: {  	v4 =	vperm.xlane v3, v0;
	_ =	sdelay $0x1  }
0xb2: {  	v3 =	vperm.xlane v3, v2;
	v4 =	vadd.s32 v1, v4;
	_ =	sdelay $0x1  }
0xb3: {  	v3 =	vadd.s32 v1, v3;
	_ =	sdelay $0x2  }
0xb4: {  	[tilespmem:s22], [sflag:$0x1] =	stream.indirect_vreg.gather [hbm4b:s1+s3], $0x80, v4, vm0, $0xb8;
	[tilespmem:$0x8080] =	vst v63  }
0xb5: {  	_ = 	snop  }
0xb6: {  	[tilespmem:s23], [sflag:$0x1] =	stream.indirect_vreg.gather [hbm4b:s1+s3], $0x80, v3, vm0, $0xb8;
	[tilespmem:$0x8080] =	vst v63  }
0xb7: {  	v3 =	vld [tilespmem:$0x70];
	_ =	sdelay $0x4  }
0xb8: {  	v63 =	vshll.u32 v3, $0x1  }
0xb9: {  	v3 =	vand.u32 $0x7, v3;
	v4 =	vand.u32 $0xFFFFFFF0, v63  }
0xba: {  	v3 =	vor.u32 v3, v4  }
0xbb: {  	v4 =	vperm.xlane v3, v0;
	_ =	sdelay $0x1  }
0xbc: {  	v3 =	vperm.xlane v3, v2;
	v4 =	vadd.s32 v1, v4;
	_ =	sdelay $0x1  }
0xbd: {  	v3 =	vadd.s32 v1, v3;
	_ =	sdelay $0x2  }
0xbe: {  	[tilespmem:s24], [sflag:$0x1] =	stream.indirect_vreg.gather [hbm4b:s1+s3], $0x80, v4, vm0, $0xb8;
	[tilespmem:$0x8080] =	vst v63  }
0xbf: {  	_ = 	snop  }
0xc0: {  	[tilespmem:s25], [sflag:$0x1] =	stream.indirect_vreg.gather [hbm4b:s1+s3], $0x80, v3, vm0, $0xb8;
	[tilespmem:$0x8080] =	vst v63  }
0xc1: {  	_ =	swait.ge [sflag:s26], $0x8000  }
0xc2: {  	p0 =	sne.s32 s8, $0x1;
	[sflag:s26] =	ssyncset.done $0x0  }
.Ltmp0:
0xc3: {  	[sflag:s26] =	ssyncadd.s32 $0xFFFF8000;
	(pc) =	sbr.rel @p0 .LBB2_1-.Ltmp0, $4  }
0xc4: {  	[hbm4b:s7+s3] =	stream.linear.scatter [tilespmem:s10], [sflag:$0x2], $0x8000, $0x38;
	[tilespmem:$0x8080] =	vst v63  }
0xc5: {  	_ =	swait.ge [sflag:s9], $0x8000  }
0xc6: {  	[sflag:s9] =	ssyncset.done $0x0  }
0xc7: {  	s8 =	sadd.s32 $0xFFFFFFFF, s8;
	[sflag:s9] =	ssyncadd.s32 $0xFFFF8000  }
0xc8: {  	_ =	sfence.sel $0x180000  }
0xc9: {  	[bflag:$0x0] =	sbarrier.arrive $0xFFFF  }
0xca: {  	p0 =	sne.s32 s2, $0x0;
	_ =	strace $0x90000047  }
0xcb: {  	s0 =	sadd.s32 @!p0 $0x100000, s0;
	[bflag:$0x2] =	sbarrier.arrive $0xFFFF  }
0xcc: {  	[sflag:s0] =	ssyncadd.tile.s32 @!p0 $0x1;
	_ =	shalt  }
.Lfunc_end2:
_tile_overlayer_lowered:
.L_overlay_start_2:
0xcd: {  	(tag) =	ssettag $0x2  }
0xce: {  	s0 =	rddreg [dreg:$0x0];
	s2 =	stileid.u32  }
0xcf: {  	s1 =	rddreg [dreg:$0x1];
	p0 =	sne.s32 s2, $0x0  }
0xd0: {  	s3 =	rddreg [dreg:$0x2];
	[bflag:$0x3] =	sbarrier.arrive $0xFFFF;
	s2 =	simm.s32 @!p0 $0x1C02  }
0xd1: {  	[timem:s3], [sflag:s2] =	dma.local @!p0 [hbm:s0], s1  }
0xd2: {  	s0 =	simm.s32 @!p0 $0x2  }
0xd3: {  	_ =	swait.ge @!p0 [sflag:s0], s1  }
0xd4: {  	s1 =	ssub.s32 @!p0 $0x0, s1;
	[sflag:s0] =	ssyncset.done @!p0 $0x0  }
0xd5: {  	[sflag:s0] =	ssyncadd.s32 @!p0 s1  }
0xd6: {  	[bflag:$0x3] =	sbarrier.arrive $0xFFFF  }
0xd7: {  	_ =	shalt  }

</sc_bundles>
